<compile_context>
chip_gen: v7x
topology: tpu7x:2x2x1
jax: 0.10.2.dev20260603
libtpu: 0.0.44.dev20260713+nightly
codegen_flags: <defaults>
</compile_context>

<pallas_src>
import functools

import jax
import jax.numpy as jnp
from jax import lax
from jax.experimental import pallas as pl
from jax.experimental.pallas import tpu as pltpu
from jax.experimental.pallas import tpu_sc as plsc

N = 10000
E = 320000
D = 128
H = 64
NF = 128

NC = 2
NS = 16
NW = NC * NS
EW = E // NW
B = 1000
CH = EW // B
NP = 10240
RPT = NP // NS


def _sc_aggregate(p, row_f, col_f, zeros_nh):
    mesh = plsc.VectorSubcoreMesh(core_axis_name="c", subcore_axis_name="s")

    @functools.partial(
        pl.kernel,
        out_type=jax.ShapeDtypeStruct((NC, NP, H), jnp.bfloat16),
        mesh=mesh,
        scratch_types=[
            pltpu.VMEM_SHARED((NP, H), jnp.bfloat16),
            pltpu.VMEM((EW,), jnp.int32),
            pltpu.VMEM((EW,), jnp.int32),
            pltpu.VMEM((B, H), jnp.bfloat16),
            pltpu.VMEM((B, H), jnp.bfloat16),
            pltpu.SemaphoreType.DMA,
            pltpu.SemaphoreType.DMA,
        ],
        compiler_params=pltpu.CompilerParams(use_tc_tiling_on_sc=False),
    )
    def k(p_hbm, row_hbm, col_hbm, z_hbm, out_hbm, acc, colc, rowc,
          g0, g1, s0, s1):
        c = lax.axis_index("c")
        s = lax.axis_index("s")
        w = s * NC + c
        r0 = s * RPT
        pltpu.sync_copy(z_hbm.at[pl.ds(r0, RPT)], acc.at[pl.ds(r0, RPT)])
        pltpu.sync_copy(col_hbm.at[pl.ds(w * EW, EW)], colc)
        pltpu.sync_copy(row_hbm.at[pl.ds(w * EW, EW)], rowc)
        plsc.subcore_barrier()

        pltpu.async_copy(p_hbm.at[colc.at[pl.ds(0, B)]], g0, s0)

        def body(i, carry):
            j0 = 2 * i * B
            pltpu.async_copy(p_hbm.at[colc.at[pl.ds(j0 + B, B)]], g1, s1)
            pltpu.make_async_copy(
                p_hbm.at[colc.at[pl.ds(j0, B)]], g0, s0).wait()
            pltpu.sync_copy(g0, acc.at[rowc.at[pl.ds(j0, B)]], add=True)

            @pl.when(j0 + 2 * B < EW)
            def _():
                pltpu.async_copy(p_hbm.at[colc.at[pl.ds(j0 + 2 * B, B)]],
                                 g0, s0)

            pltpu.make_async_copy(
                p_hbm.at[colc.at[pl.ds(j0 + B, B)]], g1, s1).wait()
            pltpu.sync_copy(g1, acc.at[rowc.at[pl.ds(j0 + B, B)]], add=True)
            return carry

        lax.fori_loop(0, CH // 2, body, 0)
        plsc.subcore_barrier()
        pltpu.sync_copy(acc.at[pl.ds(r0, RPT)], out_hbm.at[c, pl.ds(r0, RPT)])

    return k(p, row_f, col_f, zeros_nh)


def _mm_first_body(x_ref, w_ref, o_ref):
    o_ref[...] = lax.dot_general(
        x_ref[...], w_ref[...], (((1,), (1,)), ((), ())),
        preferred_element_type=jnp.float32).astype(jnp.bfloat16)


def _mm_first(x, w):
    return pl.pallas_call(
        _mm_first_body,
        out_shape=jax.ShapeDtypeStruct((NP, H), jnp.bfloat16),
    )(x, w)


def _mm_layer_body(a_ref, b_ref, w_ref, o_ref):
    asum = a_ref[0].astype(jnp.float32) + a_ref[1].astype(jnp.float32)
    h = jnp.maximum(asum + b_ref[...], 0.0)
    o_ref[...] = lax.dot_general(
        h, w_ref[...], (((1,), (1,)), ((), ())),
        preferred_element_type=jnp.float32).astype(jnp.bfloat16)


def _mm_layer(a, b, w):
    return pl.pallas_call(
        _mm_layer_body,
        out_shape=jax.ShapeDtypeStruct((NP, H), jnp.bfloat16),
    )(a, b.reshape(1, H), w)


def _head_body(a_ref, b_ref, f_ref, wf1_ref, bf1_ref, wf2_ref, bf2_ref, o_ref):
    asum = (a_ref[0, :N].astype(jnp.float32)
            + a_ref[1, :N].astype(jnp.float32))
    h = jnp.maximum(asum + b_ref[...], 0.0)
    g = jnp.sum(h, axis=0, keepdims=True) * (1.0 / N)
    g = jnp.concatenate([g, f_ref[...]], axis=1)
    z = lax.dot_general(g, wf1_ref[...], (((1,), (1,)), ((), ())),
                        preferred_element_type=jnp.float32)
    z = jnp.maximum(z + bf1_ref[...], 0.0)
    t = jnp.sum(z * wf2_ref[...])
    o_ref[...] = jax.nn.sigmoid(t + bf2_ref[...])


def _head(a, b3, frag, wf1, bf1, wf2, bf2):
    out = pl.pallas_call(
        _head_body,
        out_shape=jax.ShapeDtypeStruct((1, 128), jnp.float32),
    )(a, b3.reshape(1, H), frag.reshape(1, NF), wf1, bf1.reshape(1, -1),
      wf2, jnp.broadcast_to(bf2.reshape(1, 1), (1, 128)))
    return out[0, :1]


def kernel(x, edge_index, fragment_features, W1, b1, W2, b2, W3, b3,
           Wf1, bf1, Wf2, bf2):
    row_f = edge_index[0].astype(jnp.int32)
    col_f = edge_index[1].astype(jnp.int32)
    zeros_nh = jnp.zeros((NP, H), jnp.bfloat16)
    x_pad = jnp.pad(x, ((0, NP - N), (0, 0)))

    p = _mm_first(x_pad, W1)
    a = _sc_aggregate(p, row_f, col_f, zeros_nh)
    p = _mm_layer(a, b1, W2)
    a = _sc_aggregate(p, row_f, col_f, zeros_nh)
    p = _mm_layer(a, b2, W3)
    a = _sc_aggregate(p, row_f, col_f, zeros_nh)
    return _head(a, b3, fragment_features, Wf1, bf1, Wf2, bf2)

# --- scband reference (transcript-rebuilt; emitter-appended) ---
"""Pipeline reference for scband-gnnwith-fragments-29918742184480 (READ-ONLY COPY).

The authoritative reference and input builder live on the scoring server;
editing this copy changes nothing except your own understanding.
"""

import jax, jax.numpy as jnp
import numpy as np

N = 10000
E = 320000
D = 128
NF = 128

def setup_inputs(seed: int = 0) -> dict:
    key = jax.random.key(seed)
    k1, k2, k3, k4, k5, k6, k7, k8 = jax.random.split(key, 8)
    x = jax.random.normal(k1, (N, D), dtype=jnp.float32)
    edge_index = jax.random.randint(k2, (2, E), 0, N, dtype=jnp.int64)
    fragment_features = jax.random.normal(k3, (NF,), dtype=jnp.float32)
    W1 = jax.random.normal(k4, (64, D), dtype=jnp.float32) * 0.05
    b1 = jnp.zeros((64,), dtype=jnp.float32)
    W2 = jax.random.normal(k5, (64, 64), dtype=jnp.float32) * 0.05
    b2 = jnp.zeros((64,), dtype=jnp.float32)
    W3 = jax.random.normal(k6, (64, 64), dtype=jnp.float32) * 0.05
    b3 = jnp.zeros((64,), dtype=jnp.float32)
    Wf1 = jax.random.normal(k7, (32, 64 + NF), dtype=jnp.float32) * 0.05
    bf1 = jnp.zeros((32,), dtype=jnp.float32)
    Wf2 = jax.random.normal(k8, (1, 32), dtype=jnp.float32) * 0.05
    bf2 = jnp.zeros((1,), dtype=jnp.float32)
    return {"x": x, "edge_index": edge_index, "fragment_features": fragment_features,
            "W1": W1, "b1": b1, "W2": W2, "b2": b2, "W3": W3, "b3": b3,
            "Wf1": Wf1, "bf1": bf1, "Wf2": Wf2, "bf2": bf2}

def reference(x, edge_index, fragment_features, W1, b1, W2, b2, W3, b3, Wf1, bf1, Wf2, bf2):
    row = edge_index[0]
    col = edge_index[1]
    h = x
    for (W, b) in [(W1, b1), (W2, b2), (W3, b3)]:
        out = jnp.zeros_like(h).at[row].add(h[col])
        h = jax.nn.relu(out @ W.T + b)
    g = h.mean(axis=0)
    g = jnp.concatenate([g, fragment_features], axis=0)
    g = jax.nn.relu(g @ Wf1.T + bf1)
    g = g @ Wf2.T + bf2
    return jax.nn.sigmoid(g)

if __name__ == "__main__":
    import jax
    _d = setup_inputs()
    print(jax.jit(kernel)(*tuple(_d.values())))

</pallas_src>

<mosaic_0001>
#map = affine_map<(d0, d1) -> (0, 0)>
#map1 = affine_map<(d0, d1) -> (0)>
#map2 = affine_map<(d0, d1) -> (0, 0, 0)>
module attributes {stable_mosaic.version = 14 : i64} {
  func.func @k(%arg0: i32, %arg1: i32, %arg2: memref<10240x64xbf16, #tpu.memory_space<hbm>>, %arg3: memref<320000xi32, #tpu.memory_space<hbm>>, %arg4: memref<320000xi32, #tpu.memory_space<hbm>>, %arg5: memref<10240x64xbf16, #tpu.memory_space<hbm>>, %arg6: memref<2x10240x64xbf16, #tpu.memory_space<hbm>>, %arg7: memref<10240x64xbf16, #tpu.memory_space<vmem_shared>>, %arg8: memref<10000xi32, #tpu.memory_space<vmem>>, %arg9: memref<10000xi32, #tpu.memory_space<vmem>>, %arg10: memref<1000x64xbf16, #tpu.memory_space<vmem>>, %arg11: memref<1000x64xbf16, #tpu.memory_space<vmem>>, %arg12: memref<!tpu.dma_semaphore, #tpu.memory_space<semaphore_mem>>, %arg13: memref<!tpu.dma_semaphore, #tpu.memory_space<semaphore_mem>>) attributes {dimension_semantics = [#tpu.dimension_semantics<core_parallel>, #tpu.dimension_semantics<subcore_parallel>], iteration_bounds = array<i64: 2, 16>, scalar_prefetch = 0 : i64, scratch_operands = 7 : i64, tpu.core_type = #tpu.core_type<sc_vector_subcore>, window_params = [{transform_indices = #map}, {transform_indices = #map1}, {transform_indices = #map1}, {transform_indices = #map}, {transform_indices = #map2}]} {
    %mul3A = arith.constant 2 : i32
    %mul3A_0 = arith.muli %arg1, %mul3A : i32
    %add3A = arith.addi %mul3A_0, %arg0 : i32
    %mul3A_1 = arith.constant 640 : i32
    %mul3A_2 = arith.muli %arg1, %mul3A_1 : i32
    "tpu.region"() ({
      %run_scoped3A = tpu.sem_alloc : memref<!tpu.dma_semaphore, #tpu.memory_space<semaphore_mem>>
      %dma_start3A_17 = arith.constant 0 : i32
      %dma_start3A_18 = tpu.memref_slice %arg7[%mul3A_2, %dma_start3A_17] : memref<10240x64xbf16, #tpu.memory_space<vmem_shared>> -> memref<640x64xbf16, #tpu.memory_space<vmem_shared>>
      %dma_start3A_19 = arith.constant 0 : i32
      %dma_start3A_20 = tpu.memref_slice %arg5[%mul3A_2, %dma_start3A_19] : memref<10240x64xbf16, #tpu.memory_space<hbm>> -> memref<640x64xbf16, #tpu.memory_space<hbm>>
      tpu.enqueue_dma source(%dma_start3A_20 : memref<640x64xbf16, #tpu.memory_space<hbm>>) target(%dma_start3A_18 : memref<640x64xbf16, #tpu.memory_space<vmem_shared>>) target_semaphore(%run_scoped3A : memref<!tpu.dma_semaphore, #tpu.memory_space<semaphore_mem>>)
      %dma_wait3A = arith.constant 0 : i32
      %dma_wait3A_21 = tpu.memref_slice %arg7[%mul3A_2, %dma_wait3A] : memref<10240x64xbf16, #tpu.memory_space<vmem_shared>> -> memref<640x64xbf16, #tpu.memory_space<vmem_shared>>
      %dma_wait3A_22 = arith.constant 0 : i32
      %dma_wait3A_23 = tpu.memref_slice %arg5[%mul3A_2, %dma_wait3A_22] : memref<10240x64xbf16, #tpu.memory_space<hbm>> -> memref<640x64xbf16, #tpu.memory_space<hbm>>
      tpu.wait_dma2 semaphore(%run_scoped3A : memref<!tpu.dma_semaphore, #tpu.memory_space<semaphore_mem>>) src(%dma_wait3A_23 : memref<640x64xbf16, #tpu.memory_space<hbm>>) dst(%dma_wait3A_21 : memref<640x64xbf16, #tpu.memory_space<vmem_shared>>)
      tpu.yield
    }) : () -> ()
    %mul3A_3 = arith.constant 10000 : i32
    %mul3A_4 = arith.muli %add3A, %mul3A_3 : i32
    "tpu.region"() ({
      %run_scoped3A = tpu.sem_alloc : memref<!tpu.dma_semaphore, #tpu.memory_space<semaphore_mem>>
      %dma_start3A_17 = tpu.memref_slice %arg4[%mul3A_4] : memref<320000xi32, #tpu.memory_space<hbm>> -> memref<10000xi32, #tpu.memory_space<hbm>>
      %dma_start3A_18 = tpu.memref_slice %arg4[%mul3A_4] : memref<320000xi32, #tpu.memory_space<hbm>> -> memref<10000xi32, #tpu.memory_space<hbm>>
      tpu.enqueue_dma source(%dma_start3A_18 : memref<10000xi32, #tpu.memory_space<hbm>>) target(%arg8 : memref<10000xi32, #tpu.memory_space<vmem>>) target_semaphore(%run_scoped3A : memref<!tpu.dma_semaphore, #tpu.memory_space<semaphore_mem>>)
      %dma_wait3A = tpu.memref_slice %arg4[%mul3A_4] : memref<320000xi32, #tpu.memory_space<hbm>> -> memref<10000xi32, #tpu.memory_space<hbm>>
      %dma_wait3A_19 = tpu.memref_slice %arg4[%mul3A_4] : memref<320000xi32, #tpu.memory_space<hbm>> -> memref<10000xi32, #tpu.memory_space<hbm>>
      tpu.wait_dma2 semaphore(%run_scoped3A : memref<!tpu.dma_semaphore, #tpu.memory_space<semaphore_mem>>) src(%dma_wait3A_19 : memref<10000xi32, #tpu.memory_space<hbm>>) dst(%arg8 : memref<10000xi32, #tpu.memory_space<vmem>>)
      tpu.yield
    }) : () -> ()
    %mul3A_5 = arith.constant 10000 : i32
    %mul3A_6 = arith.muli %add3A, %mul3A_5 : i32
    "tpu.region"() ({
      %run_scoped3A = tpu.sem_alloc : memref<!tpu.dma_semaphore, #tpu.memory_space<semaphore_mem>>
      %dma_start3A_17 = tpu.memref_slice %arg3[%mul3A_6] : memref<320000xi32, #tpu.memory_space<hbm>> -> memref<10000xi32, #tpu.memory_space<hbm>>
      %dma_start3A_18 = tpu.memref_slice %arg3[%mul3A_6] : memref<320000xi32, #tpu.memory_space<hbm>> -> memref<10000xi32, #tpu.memory_space<hbm>>
      tpu.enqueue_dma source(%dma_start3A_18 : memref<10000xi32, #tpu.memory_space<hbm>>) target(%arg9 : memref<10000xi32, #tpu.memory_space<vmem>>) target_semaphore(%run_scoped3A : memref<!tpu.dma_semaphore, #tpu.memory_space<semaphore_mem>>)
      %dma_wait3A = tpu.memref_slice %arg3[%mul3A_6] : memref<320000xi32, #tpu.memory_space<hbm>> -> memref<10000xi32, #tpu.memory_space<hbm>>
      %dma_wait3A_19 = tpu.memref_slice %arg3[%mul3A_6] : memref<320000xi32, #tpu.memory_space<hbm>> -> memref<10000xi32, #tpu.memory_space<hbm>>
      tpu.wait_dma2 semaphore(%run_scoped3A : memref<!tpu.dma_semaphore, #tpu.memory_space<semaphore_mem>>) src(%dma_wait3A_19 : memref<10000xi32, #tpu.memory_space<hbm>>) dst(%arg9 : memref<10000xi32, #tpu.memory_space<vmem>>)
      tpu.yield
    }) : () -> ()
    %barrier3A = arith.constant 0 : index
    tpu.barrier barrier_id(%barrier3A)
    %dma_start3A = arith.constant 0 : i32
    %dma_start3A_7 = tpu.memref_slice %arg8[%dma_start3A] : memref<10000xi32, #tpu.memory_space<vmem>> -> memref<1000xi32, #tpu.memory_space<vmem>>
    %dma_start3A_8 = arith.constant 0 : i32
    %dma_start3A_9 = arith.constant 0 : i32
    %dma_start3A_10 = tpu.memref_slice %arg2[%dma_start3A_8, %dma_start3A_9] : memref<10240x64xbf16, #tpu.memory_space<hbm>> -> memref<10240x64xbf16, #tpu.memory_space<hbm>>
    tpu.enqueue_indirect_dma source(%dma_start3A_10 : memref<10240x64xbf16, #tpu.memory_space<hbm>>) target(%arg10 : memref<1000x64xbf16, #tpu.memory_space<vmem>>) offsets(%dma_start3A_7 : memref<1000xi32, #tpu.memory_space<vmem>>) semaphore(%arg12 : memref<!tpu.dma_semaphore, #tpu.memory_space<semaphore_mem>>)
    %scan3A = arith.constant 0 : i32
    %scan3A_11 = arith.constant 0 : i32
    %scan3A_12 = arith.constant 5 : i32
    %scan3A_13 = arith.addi %scan3A_11, %scan3A_12 : i32
    %scan3A_14 = arith.constant 1 : i32
    scf.for %scan3A_17 = %scan3A_11 to %scan3A_13 step %scan3A_14  : i32 {
      %mul3A_18 = arith.constant 2 : i32
      %mul3A_19 = arith.muli %mul3A_18, %scan3A_17 : i32
      %mul3A_20 = arith.constant 1000 : i32
      %mul3A_21 = arith.muli %mul3A_19, %mul3A_20 : i32
      %add3A_22 = arith.constant 1000 : i32
      %add3A_23 = arith.addi %mul3A_21, %add3A_22 : i32
      %dma_start3A_24 = tpu.memref_slice %arg8[%add3A_23] : memref<10000xi32, #tpu.memory_space<vmem>> -> memref<1000xi32, #tpu.memory_space<vmem>>
      %dma_start3A_25 = arith.constant 0 : i32
      %dma_start3A_26 = arith.constant 0 : i32
      %dma_start3A_27 = tpu.memref_slice %arg2[%dma_start3A_25, %dma_start3A_26] : memref<10240x64xbf16, #tpu.memory_space<hbm>> -> memref<10240x64xbf16, #tpu.memory_space<hbm>>
      tpu.enqueue_indirect_dma source(%dma_start3A_27 : memref<10240x64xbf16, #tpu.memory_space<hbm>>) target(%arg11 : memref<1000x64xbf16, #tpu.memory_space<vmem>>) offsets(%dma_start3A_24 : memref<1000xi32, #tpu.memory_space<vmem>>) semaphore(%arg13 : memref<!tpu.dma_semaphore, #tpu.memory_space<semaphore_mem>>)
      %dma_wait3A = tpu.memref_slice %arg8[%mul3A_21] : memref<10000xi32, #tpu.memory_space<vmem>> -> memref<1000xi32, #tpu.memory_space<vmem>>
      %dma_wait3A_28 = arith.constant 0 : i32
      %dma_wait3A_29 = arith.constant 0 : i32
      %dma_wait3A_30 = tpu.memref_slice %arg2[%dma_wait3A_28, %dma_wait3A_29] : memref<10240x64xbf16, #tpu.memory_space<hbm>> -> memref<10240x64xbf16, #tpu.memory_space<hbm>>
      tpu.wait_indirect_dma semaphore(%arg12 : memref<!tpu.dma_semaphore, #tpu.memory_space<semaphore_mem>>) src(%dma_wait3A_30 : memref<10240x64xbf16, #tpu.memory_space<hbm>>) dst(%arg10 : memref<1000x64xbf16, #tpu.memory_space<vmem>>)
      "tpu.region"() ({
        %run_scoped3A = tpu.sem_alloc : memref<!tpu.dma_semaphore, #tpu.memory_space<semaphore_mem>>
        %dma_start3A_43 = tpu.memref_slice %arg9[%mul3A_21] : memref<10000xi32, #tpu.memory_space<vmem>> -> memref<1000xi32, #tpu.memory_space<vmem>>
        %dma_start3A_44 = arith.constant 0 : i32
        %dma_start3A_45 = arith.constant 0 : i32
        %dma_start3A_46 = tpu.memref_slice %arg7[%dma_start3A_44, %dma_start3A_45] : memref<10240x64xbf16, #tpu.memory_space<vmem_shared>> -> memref<10240x64xbf16, #tpu.memory_space<vmem_shared>>
        tpu.enqueue_indirect_dma source(%arg10 : memref<1000x64xbf16, #tpu.memory_space<vmem>>) target(%dma_start3A_46 : memref<10240x64xbf16, #tpu.memory_space<vmem_shared>>) offsets(%dma_start3A_43 : memref<1000xi32, #tpu.memory_space<vmem>>) semaphore(%run_scoped3A : memref<!tpu.dma_semaphore, #tpu.memory_space<semaphore_mem>>) {add = true}
        %dma_wait3A_47 = tpu.memref_slice %arg9[%mul3A_21] : memref<10000xi32, #tpu.memory_space<vmem>> -> memref<1000xi32, #tpu.memory_space<vmem>>
        %dma_wait3A_48 = arith.constant 0 : i32
        %dma_wait3A_49 = arith.constant 0 : i32
        %dma_wait3A_50 = tpu.memref_slice %arg7[%dma_wait3A_48, %dma_wait3A_49] : memref<10240x64xbf16, #tpu.memory_space<vmem_shared>> -> memref<10240x64xbf16, #tpu.memory_space<vmem_shared>>
        tpu.wait_indirect_dma semaphore(%run_scoped3A : memref<!tpu.dma_semaphore, #tpu.memory_space<semaphore_mem>>) src(%arg10 : memref<1000x64xbf16, #tpu.memory_space<vmem>>) dst(%dma_wait3A_50 : memref<10240x64xbf16, #tpu.memory_space<vmem_shared>>)
        tpu.yield
      }) : () -> ()
      %add3A_31 = arith.constant 2000 : i32
      %add3A_32 = arith.addi %mul3A_21, %add3A_31 : i32
      %lt3A = arith.constant 10000 : i32
      %lt3A_33 = arith.cmpi slt, %add3A_32, %lt3A : i32
      %convert_element_type3A = arith.extui %lt3A_33 : i1 to i32
      %cond3A = arith.constant 0 : i32
      %cond3A_34 = arith.cmpi ne, %convert_element_type3A, %cond3A : i32
      scf.if %cond3A_34 {
        %add3A_43 = arith.constant 2000 : i32
        %add3A_44 = arith.addi %mul3A_21, %add3A_43 : i32
        %dma_start3A_45 = tpu.memref_slice %arg8[%add3A_44] : memref<10000xi32, #tpu.memory_space<vmem>> -> memref<1000xi32, #tpu.memory_space<vmem>>
        %dma_start3A_46 = arith.constant 0 : i32
        %dma_start3A_47 = arith.constant 0 : i32
        %dma_start3A_48 = tpu.memref_slice %arg2[%dma_start3A_46, %dma_start3A_47] : memref<10240x64xbf16, #tpu.memory_space<hbm>> -> memref<10240x64xbf16, #tpu.memory_space<hbm>>
        tpu.enqueue_indirect_dma source(%dma_start3A_48 : memref<10240x64xbf16, #tpu.memory_space<hbm>>) target(%arg10 : memref<1000x64xbf16, #tpu.memory_space<vmem>>) offsets(%dma_start3A_45 : memref<1000xi32, #tpu.memory_space<vmem>>) semaphore(%arg12 : memref<!tpu.dma_semaphore, #tpu.memory_space<semaphore_mem>>)
      } else {
      }
      %add3A_35 = arith.constant 1000 : i32
      %add3A_36 = arith.addi %mul3A_21, %add3A_35 : i32
      %dma_wait3A_37 = tpu.memref_slice %arg8[%add3A_36] : memref<10000xi32, #tpu.memory_space<vmem>> -> memref<1000xi32, #tpu.memory_space<vmem>>
      %dma_wait3A_38 = arith.constant 0 : i32
      %dma_wait3A_39 = arith.constant 0 : i32
      %dma_wait3A_40 = tpu.memref_slice %arg2[%dma_wait3A_38, %dma_wait3A_39] : memref<10240x64xbf16, #tpu.memory_space<hbm>> -> memref<10240x64xbf16, #tpu.memory_space<hbm>>
      tpu.wait_indirect_dma semaphore(%arg13 : memref<!tpu.dma_semaphore, #tpu.memory_space<semaphore_mem>>) src(%dma_wait3A_40 : memref<10240x64xbf16, #tpu.memory_space<hbm>>) dst(%arg11 : memref<1000x64xbf16, #tpu.memory_space<vmem>>)
      %add3A_41 = arith.constant 1000 : i32
      %add3A_42 = arith.addi %mul3A_21, %add3A_41 : i32
      "tpu.region"() ({
        %run_scoped3A = tpu.sem_alloc : memref<!tpu.dma_semaphore, #tpu.memory_space<semaphore_mem>>
        %dma_start3A_43 = tpu.memref_slice %arg9[%add3A_42] : memref<10000xi32, #tpu.memory_space<vmem>> -> memref<1000xi32, #tpu.memory_space<vmem>>
        %dma_start3A_44 = arith.constant 0 : i32
        %dma_start3A_45 = arith.constant 0 : i32
        %dma_start3A_46 = tpu.memref_slice %arg7[%dma_start3A_44, %dma_start3A_45] : memref<10240x64xbf16, #tpu.memory_space<vmem_shared>> -> memref<10240x64xbf16, #tpu.memory_space<vmem_shared>>
        tpu.enqueue_indirect_dma source(%arg11 : memref<1000x64xbf16, #tpu.memory_space<vmem>>) target(%dma_start3A_46 : memref<10240x64xbf16, #tpu.memory_space<vmem_shared>>) offsets(%dma_start3A_43 : memref<1000xi32, #tpu.memory_space<vmem>>) semaphore(%run_scoped3A : memref<!tpu.dma_semaphore, #tpu.memory_space<semaphore_mem>>) {add = true}
        %dma_wait3A_47 = tpu.memref_slice %arg9[%add3A_42] : memref<10000xi32, #tpu.memory_space<vmem>> -> memref<1000xi32, #tpu.memory_space<vmem>>
        %dma_wait3A_48 = arith.constant 0 : i32
        %dma_wait3A_49 = arith.constant 0 : i32
        %dma_wait3A_50 = tpu.memref_slice %arg7[%dma_wait3A_48, %dma_wait3A_49] : memref<10240x64xbf16, #tpu.memory_space<vmem_shared>> -> memref<10240x64xbf16, #tpu.memory_space<vmem_shared>>
        tpu.wait_indirect_dma semaphore(%run_scoped3A : memref<!tpu.dma_semaphore, #tpu.memory_space<semaphore_mem>>) src(%arg11 : memref<1000x64xbf16, #tpu.memory_space<vmem>>) dst(%dma_wait3A_50 : memref<10240x64xbf16, #tpu.memory_space<vmem_shared>>)
        tpu.yield
      }) : () -> ()
    }
    %scan3A_15 = arith.constant 5 : i32
    %barrier3A_16 = arith.constant 0 : index
    tpu.barrier barrier_id(%barrier3A_16)
    "tpu.region"() ({
      %run_scoped3A = tpu.sem_alloc : memref<!tpu.dma_semaphore, #tpu.memory_space<semaphore_mem>>
      %dma_start3A_17 = arith.constant 0 : i32
      %dma_start3A_18 = tpu.memref_slice %arg6[%arg0, %mul3A_2, %dma_start3A_17] : memref<2x10240x64xbf16, #tpu.memory_space<hbm>> -> memref<1x640x64xbf16, #tpu.memory_space<hbm>>
      %dma_start3A_19 = tpu.memref_squeeze %dma_start3A_18 : memref<1x640x64xbf16, #tpu.memory_space<hbm>> -> memref<640x64xbf16, #tpu.memory_space<hbm>>
      %dma_start3A_20 = arith.constant 0 : i32
      %dma_start3A_21 = tpu.memref_slice %arg7[%mul3A_2, %dma_start3A_20] : memref<10240x64xbf16, #tpu.memory_space<vmem_shared>> -> memref<640x64xbf16, #tpu.memory_space<vmem_shared>>
      tpu.enqueue_dma source(%dma_start3A_21 : memref<640x64xbf16, #tpu.memory_space<vmem_shared>>) target(%dma_start3A_19 : memref<640x64xbf16, #tpu.memory_space<hbm>>) target_semaphore(%run_scoped3A : memref<!tpu.dma_semaphore, #tpu.memory_space<semaphore_mem>>)
      %dma_wait3A = arith.constant 0 : i32
      %dma_wait3A_22 = tpu.memref_slice %arg6[%arg0, %mul3A_2, %dma_wait3A] : memref<2x10240x64xbf16, #tpu.memory_space<hbm>> -> memref<1x640x64xbf16, #tpu.memory_space<hbm>>
      %dma_wait3A_23 = tpu.memref_squeeze %dma_wait3A_22 : memref<1x640x64xbf16, #tpu.memory_space<hbm>> -> memref<640x64xbf16, #tpu.memory_space<hbm>>
      %dma_wait3A_24 = arith.constant 0 : i32
      %dma_wait3A_25 = tpu.memref_slice %arg7[%mul3A_2, %dma_wait3A_24] : memref<10240x64xbf16, #tpu.memory_space<vmem_shared>> -> memref<640x64xbf16, #tpu.memory_space<vmem_shared>>
      tpu.wait_dma2 semaphore(%run_scoped3A : memref<!tpu.dma_semaphore, #tpu.memory_space<semaphore_mem>>) src(%dma_wait3A_25 : memref<640x64xbf16, #tpu.memory_space<vmem_shared>>) dst(%dma_wait3A_23 : memref<640x64xbf16, #tpu.memory_space<hbm>>)
      tpu.yield
    }) : () -> ()
    return
  }
}

#map = affine_map<(d0, d1) -> (0, 0)>
#map1 = affine_map<(d0, d1) -> (0)>
#map2 = affine_map<(d0, d1) -> (0, 0, 0)>
module attributes {stable_mosaic.version = 14 : i64} {
  func.func @k(%arg0: i32, %arg1: i32, %arg2: memref<10240x64xbf16, #tpu.memory_space<hbm>>, %arg3: memref<320000xi32, #tpu.memory_space<hbm>>, %arg4: memref<320000xi32, #tpu.memory_space<hbm>>, %arg5: memref<10240x64xbf16, #tpu.memory_space<hbm>>, %arg6: memref<2x10240x64xbf16, #tpu.memory_space<hbm>>, %arg7: memref<10240x64xbf16, #tpu.memory_space<vmem_shared>>, %arg8: memref<10000xi32, #tpu.memory_space<vmem>>, %arg9: memref<10000xi32, #tpu.memory_space<vmem>>, %arg10: memref<1000x64xbf16, #tpu.memory_space<vmem>>, %arg11: memref<1000x64xbf16, #tpu.memory_space<vmem>>, %arg12: memref<!tpu.dma_semaphore, #tpu.memory_space<semaphore_mem>>, %arg13: memref<!tpu.dma_semaphore, #tpu.memory_space<semaphore_mem>>) attributes {dimension_semantics = [#tpu.dimension_semantics<core_parallel>, #tpu.dimension_semantics<subcore_parallel>], iteration_bounds = array<i64: 2, 16>, scalar_prefetch = 0 : i64, scratch_operands = 7 : i64, tpu.core_type = #tpu.core_type<sc_vector_subcore>, window_params = [{transform_indices = #map}, {transform_indices = #map1}, {transform_indices = #map1}, {transform_indices = #map}, {transform_indices = #map2}]} {
    %mul3A = arith.constant 2 : i32
    %mul3A_0 = arith.muli %arg1, %mul3A : i32
    %add3A = arith.addi %mul3A_0, %arg0 : i32
    %mul3A_1 = arith.constant 640 : i32
    %mul3A_2 = arith.muli %arg1, %mul3A_1 : i32
    "tpu.region"() ({
      %run_scoped3A = tpu.sem_alloc : memref<!tpu.dma_semaphore, #tpu.memory_space<semaphore_mem>>
      %dma_start3A_17 = arith.constant 0 : i32
      %dma_start3A_18 = tpu.memref_slice %arg7[%mul3A_2, %dma_start3A_17] : memref<10240x64xbf16, #tpu.memory_space<vmem_shared>> -> memref<640x64xbf16, #tpu.memory_space<vmem_shared>>
      %dma_start3A_19 = arith.constant 0 : i32
      %dma_start3A_20 = tpu.memref_slice %arg5[%mul3A_2, %dma_start3A_19] : memref<10240x64xbf16, #tpu.memory_space<hbm>> -> memref<640x64xbf16, #tpu.memory_space<hbm>>
      tpu.enqueue_dma source(%dma_start3A_20 : memref<640x64xbf16, #tpu.memory_space<hbm>>) target(%dma_start3A_18 : memref<640x64xbf16, #tpu.memory_space<vmem_shared>>) target_semaphore(%run_scoped3A : memref<!tpu.dma_semaphore, #tpu.memory_space<semaphore_mem>>)
      %dma_wait3A = arith.constant 0 : i32
      %dma_wait3A_21 = tpu.memref_slice %arg7[%mul3A_2, %dma_wait3A] : memref<10240x64xbf16, #tpu.memory_space<vmem_shared>> -> memref<640x64xbf16, #tpu.memory_space<vmem_shared>>
      %dma_wait3A_22 = arith.constant 0 : i32
      %dma_wait3A_23 = tpu.memref_slice %arg5[%mul3A_2, %dma_wait3A_22] : memref<10240x64xbf16, #tpu.memory_space<hbm>> -> memref<640x64xbf16, #tpu.memory_space<hbm>>
      tpu.wait_dma2 semaphore(%run_scoped3A : memref<!tpu.dma_semaphore, #tpu.memory_space<semaphore_mem>>) src(%dma_wait3A_23 : memref<640x64xbf16, #tpu.memory_space<hbm>>) dst(%dma_wait3A_21 : memref<640x64xbf16, #tpu.memory_space<vmem_shared>>)
      tpu.yield
    }) : () -> ()
    %mul3A_3 = arith.constant 10000 : i32
    %mul3A_4 = arith.muli %add3A, %mul3A_3 : i32
    "tpu.region"() ({
      %run_scoped3A = tpu.sem_alloc : memref<!tpu.dma_semaphore, #tpu.memory_space<semaphore_mem>>
      %dma_start3A_17 = tpu.memref_slice %arg4[%mul3A_4] : memref<320000xi32, #tpu.memory_space<hbm>> -> memref<10000xi32, #tpu.memory_space<hbm>>
      %dma_start3A_18 = tpu.memref_slice %arg4[%mul3A_4] : memref<320000xi32, #tpu.memory_space<hbm>> -> memref<10000xi32, #tpu.memory_space<hbm>>
      tpu.enqueue_dma source(%dma_start3A_18 : memref<10000xi32, #tpu.memory_space<hbm>>) target(%arg8 : memref<10000xi32, #tpu.memory_space<vmem>>) target_semaphore(%run_scoped3A : memref<!tpu.dma_semaphore, #tpu.memory_space<semaphore_mem>>)
      %dma_wait3A = tpu.memref_slice %arg4[%mul3A_4] : memref<320000xi32, #tpu.memory_space<hbm>> -> memref<10000xi32, #tpu.memory_space<hbm>>
      %dma_wait3A_19 = tpu.memref_slice %arg4[%mul3A_4] : memref<320000xi32, #tpu.memory_space<hbm>> -> memref<10000xi32, #tpu.memory_space<hbm>>
      tpu.wait_dma2 semaphore(%run_scoped3A : memref<!tpu.dma_semaphore, #tpu.memory_space<semaphore_mem>>) src(%dma_wait3A_19 : memref<10000xi32, #tpu.memory_space<hbm>>) dst(%arg8 : memref<10000xi32, #tpu.memory_space<vmem>>)
      tpu.yield
    }) : () -> ()
    %mul3A_5 = arith.constant 10000 : i32
    %mul3A_6 = arith.muli %add3A, %mul3A_5 : i32
    "tpu.region"() ({
      %run_scoped3A = tpu.sem_alloc : memref<!tpu.dma_semaphore, #tpu.memory_space<semaphore_mem>>
      %dma_start3A_17 = tpu.memref_slice %arg3[%mul3A_6] : memref<320000xi32, #tpu.memory_space<hbm>> -> memref<10000xi32, #tpu.memory_space<hbm>>
      %dma_start3A_18 = tpu.memref_slice %arg3[%mul3A_6] : memref<320000xi32, #tpu.memory_space<hbm>> -> memref<10000xi32, #tpu.memory_space<hbm>>
      tpu.enqueue_dma source(%dma_start3A_18 : memref<10000xi32, #tpu.memory_space<hbm>>) target(%arg9 : memref<10000xi32, #tpu.memory_space<vmem>>) target_semaphore(%run_scoped3A : memref<!tpu.dma_semaphore, #tpu.memory_space<semaphore_mem>>)
      %dma_wait3A = tpu.memref_slice %arg3[%mul3A_6] : memref<320000xi32, #tpu.memory_space<hbm>> -> memref<10000xi32, #tpu.memory_space<hbm>>
      %dma_wait3A_19 = tpu.memref_slice %arg3[%mul3A_6] : memref<320000xi32, #tpu.memory_space<hbm>> -> memref<10000xi32, #tpu.memory_space<hbm>>
      tpu.wait_dma2 semaphore(%run_scoped3A : memref<!tpu.dma_semaphore, #tpu.memory_space<semaphore_mem>>) src(%dma_wait3A_19 : memref<10000xi32, #tpu.memory_space<hbm>>) dst(%arg9 : memref<10000xi32, #tpu.memory_space<vmem>>)
      tpu.yield
    }) : () -> ()
    %barrier3A = arith.constant 0 : index
    tpu.barrier barrier_id(%barrier3A)
    %dma_start3A = arith.constant 0 : i32
    %dma_start3A_7 = tpu.memref_slice %arg8[%dma_start3A] : memref<10000xi32, #tpu.memory_space<vmem>> -> memref<1000xi32, #tpu.memory_space<vmem>>
    %dma_start3A_8 = arith.constant 0 : i32
    %dma_start3A_9 = arith.constant 0 : i32
    %dma_start3A_10 = tpu.memref_slice %arg2[%dma_start3A_8, %dma_start3A_9] : memref<10240x64xbf16, #tpu.memory_space<hbm>> -> memref<10240x64xbf16, #tpu.memory_space<hbm>>
    tpu.enqueue_indirect_dma source(%dma_start3A_10 : memref<10240x64xbf16, #tpu.memory_space<hbm>>) target(%arg10 : memref<1000x64xbf16, #tpu.memory_space<vmem>>) offsets(%dma_start3A_7 : memref<1000xi32, #tpu.memory_space<vmem>>) semaphore(%arg12 : memref<!tpu.dma_semaphore, #tpu.memory_space<semaphore_mem>>)
    %scan3A = arith.constant 0 : i32
    %scan3A_11 = arith.constant 0 : i32
    %scan3A_12 = arith.constant 5 : i32
    %scan3A_13 = arith.addi %scan3A_11, %scan3A_12 : i32
    %scan3A_14 = arith.constant 1 : i32
    scf.for %scan3A_17 = %scan3A_11 to %scan3A_13 step %scan3A_14  : i32 {
      %mul3A_18 = arith.constant 2 : i32
      %mul3A_19 = arith.muli %mul3A_18, %scan3A_17 : i32
      %mul3A_20 = arith.constant 1000 : i32
      %mul3A_21 = arith.muli %mul3A_19, %mul3A_20 : i32
      %add3A_22 = arith.constant 1000 : i32
      %add3A_23 = arith.addi %mul3A_21, %add3A_22 : i32
      %dma_start3A_24 = tpu.memref_slice %arg8[%add3A_23] : memref<10000xi32, #tpu.memory_space<vmem>> -> memref<1000xi32, #tpu.memory_space<vmem>>
      %dma_start3A_25 = arith.constant 0 : i32
      %dma_start3A_26 = arith.constant 0 : i32
      %dma_start3A_27 = tpu.memref_slice %arg2[%dma_start3A_25, %dma_start3A_26] : memref<10240x64xbf16, #tpu.memory_space<hbm>> -> memref<10240x64xbf16, #tpu.memory_space<hbm>>
      tpu.enqueue_indirect_dma source(%dma_start3A_27 : memref<10240x64xbf16, #tpu.memory_space<hbm>>) target(%arg11 : memref<1000x64xbf16, #tpu.memory_space<vmem>>) offsets(%dma_start3A_24 : memref<1000xi32, #tpu.memory_space<vmem>>) semaphore(%arg13 : memref<!tpu.dma_semaphore, #tpu.memory_space<semaphore_mem>>)
      %dma_wait3A = tpu.memref_slice %arg8[%mul3A_21] : memref<10000xi32, #tpu.memory_space<vmem>> -> memref<1000xi32, #tpu.memory_space<vmem>>
      %dma_wait3A_28 = arith.constant 0 : i32
      %dma_wait3A_29 = arith.constant 0 : i32
      %dma_wait3A_30 = tpu.memref_slice %arg2[%dma_wait3A_28, %dma_wait3A_29] : memref<10240x64xbf16, #tpu.memory_space<hbm>> -> memref<10240x64xbf16, #tpu.memory_space<hbm>>
      tpu.wait_indirect_dma semaphore(%arg12 : memref<!tpu.dma_semaphore, #tpu.memory_space<semaphore_mem>>) src(%dma_wait3A_30 : memref<10240x64xbf16, #tpu.memory_space<hbm>>) dst(%arg10 : memref<1000x64xbf16, #tpu.memory_space<vmem>>)
      "tpu.region"() ({
        %run_scoped3A = tpu.sem_alloc : memref<!tpu.dma_semaphore, #tpu.memory_space<semaphore_mem>>
        %dma_start3A_43 = tpu.memref_slice %arg9[%mul3A_21] : memref<10000xi32, #tpu.memory_space<vmem>> -> memref<1000xi32, #tpu.memory_space<vmem>>
        %dma_start3A_44 = arith.constant 0 : i32
        %dma_start3A_45 = arith.constant 0 : i32
        %dma_start3A_46 = tpu.memref_slice %arg7[%dma_start3A_44, %dma_start3A_45] : memref<10240x64xbf16, #tpu.memory_space<vmem_shared>> -> memref<10240x64xbf16, #tpu.memory_space<vmem_shared>>
        tpu.enqueue_indirect_dma source(%arg10 : memref<1000x64xbf16, #tpu.memory_space<vmem>>) target(%dma_start3A_46 : memref<10240x64xbf16, #tpu.memory_space<vmem_shared>>) offsets(%dma_start3A_43 : memref<1000xi32, #tpu.memory_space<vmem>>) semaphore(%run_scoped3A : memref<!tpu.dma_semaphore, #tpu.memory_space<semaphore_mem>>) {add = true}
        %dma_wait3A_47 = tpu.memref_slice %arg9[%mul3A_21] : memref<10000xi32, #tpu.memory_space<vmem>> -> memref<1000xi32, #tpu.memory_space<vmem>>
        %dma_wait3A_48 = arith.constant 0 : i32
        %dma_wait3A_49 = arith.constant 0 : i32
        %dma_wait3A_50 = tpu.memref_slice %arg7[%dma_wait3A_48, %dma_wait3A_49] : memref<10240x64xbf16, #tpu.memory_space<vmem_shared>> -> memref<10240x64xbf16, #tpu.memory_space<vmem_shared>>
        tpu.wait_indirect_dma semaphore(%run_scoped3A : memref<!tpu.dma_semaphore, #tpu.memory_space<semaphore_mem>>) src(%arg10 : memref<1000x64xbf16, #tpu.memory_space<vmem>>) dst(%dma_wait3A_50 : memref<10240x64xbf16, #tpu.memory_space<vmem_shared>>)
        tpu.yield
      }) : () -> ()
      %add3A_31 = arith.constant 2000 : i32
      %add3A_32 = arith.addi %mul3A_21, %add3A_31 : i32
      %lt3A = arith.constant 10000 : i32
      %lt3A_33 = arith.cmpi slt, %add3A_32, %lt3A : i32
      %convert_element_type3A = arith.extui %lt3A_33 : i1 to i32
      %cond3A = arith.constant 0 : i32
      %cond3A_34 = arith.cmpi ne, %convert_element_type3A, %cond3A : i32
      scf.if %cond3A_34 {
        %add3A_43 = arith.constant 2000 : i32
        %add3A_44 = arith.addi %mul3A_21, %add3A_43 : i32
        %dma_start3A_45 = tpu.memref_slice %arg8[%add3A_44] : memref<10000xi32, #tpu.memory_space<vmem>> -> memref<1000xi32, #tpu.memory_space<vmem>>
        %dma_start3A_46 = arith.constant 0 : i32
        %dma_start3A_47 = arith.constant 0 : i32
        %dma_start3A_48 = tpu.memref_slice %arg2[%dma_start3A_46, %dma_start3A_47] : memref<10240x64xbf16, #tpu.memory_space<hbm>> -> memref<10240x64xbf16, #tpu.memory_space<hbm>>
        tpu.enqueue_indirect_dma source(%dma_start3A_48 : memref<10240x64xbf16, #tpu.memory_space<hbm>>) target(%arg10 : memref<1000x64xbf16, #tpu.memory_space<vmem>>) offsets(%dma_start3A_45 : memref<1000xi32, #tpu.memory_space<vmem>>) semaphore(%arg12 : memref<!tpu.dma_semaphore, #tpu.memory_space<semaphore_mem>>)
      } else {
      }
      %add3A_35 = arith.constant 1000 : i32
      %add3A_36 = arith.addi %mul3A_21, %add3A_35 : i32
      %dma_wait3A_37 = tpu.memref_slice %arg8[%add3A_36] : memref<10000xi32, #tpu.memory_space<vmem>> -> memref<1000xi32, #tpu.memory_space<vmem>>
      %dma_wait3A_38 = arith.constant 0 : i32
      %dma_wait3A_39 = arith.constant 0 : i32
      %dma_wait3A_40 = tpu.memref_slice %arg2[%dma_wait3A_38, %dma_wait3A_39] : memref<10240x64xbf16, #tpu.memory_space<hbm>> -> memref<10240x64xbf16, #tpu.memory_space<hbm>>
      tpu.wait_indirect_dma semaphore(%arg13 : memref<!tpu.dma_semaphore, #tpu.memory_space<semaphore_mem>>) src(%dma_wait3A_40 : memref<10240x64xbf16, #tpu.memory_space<hbm>>) dst(%arg11 : memref<1000x64xbf16, #tpu.memory_space<vmem>>)
      %add3A_41 = arith.constant 1000 : i32
      %add3A_42 = arith.addi %mul3A_21, %add3A_41 : i32
      "tpu.region"() ({
        %run_scoped3A = tpu.sem_alloc : memref<!tpu.dma_semaphore, #tpu.memory_space<semaphore_mem>>
        %dma_start3A_43 = tpu.memref_slice %arg9[%add3A_42] : memref<10000xi32, #tpu.memory_space<vmem>> -> memref<1000xi32, #tpu.memory_space<vmem>>
        %dma_start3A_44 = arith.constant 0 : i32
        %dma_start3A_45 = arith.constant 0 : i32
        %dma_start3A_46 = tpu.memref_slice %arg7[%dma_start3A_44, %dma_start3A_45] : memref<10240x64xbf16, #tpu.memory_space<vmem_shared>> -> memref<10240x64xbf16, #tpu.memory_space<vmem_shared>>
        tpu.enqueue_indirect_dma source(%arg11 : memref<1000x64xbf16, #tpu.memory_space<vmem>>) target(%dma_start3A_46 : memref<10240x64xbf16, #tpu.memory_space<vmem_shared>>) offsets(%dma_start3A_43 : memref<1000xi32, #tpu.memory_space<vmem>>) semaphore(%run_scoped3A : memref<!tpu.dma_semaphore, #tpu.memory_space<semaphore_mem>>) {add = true}
        %dma_wait3A_47 = tpu.memref_slice %arg9[%add3A_42] : memref<10000xi32, #tpu.memory_space<vmem>> -> memref<1000xi32, #tpu.memory_space<vmem>>
        %dma_wait3A_48 = arith.constant 0 : i32
        %dma_wait3A_49 = arith.constant 0 : i32
        %dma_wait3A_50 = tpu.memref_slice %arg7[%dma_wait3A_48, %dma_wait3A_49] : memref<10240x64xbf16, #tpu.memory_space<vmem_shared>> -> memref<10240x64xbf16, #tpu.memory_space<vmem_shared>>
        tpu.wait_indirect_dma semaphore(%run_scoped3A : memref<!tpu.dma_semaphore, #tpu.memory_space<semaphore_mem>>) src(%arg11 : memref<1000x64xbf16, #tpu.memory_space<vmem>>) dst(%dma_wait3A_50 : memref<10240x64xbf16, #tpu.memory_space<vmem_shared>>)
        tpu.yield
      }) : () -> ()
    }
    %scan3A_15 = arith.constant 5 : i32
    %barrier3A_16 = arith.constant 0 : index
    tpu.barrier barrier_id(%barrier3A_16)
    "tpu.region"() ({
      %run_scoped3A = tpu.sem_alloc : memref<!tpu.dma_semaphore, #tpu.memory_space<semaphore_mem>>
      %dma_start3A_17 = arith.constant 0 : i32
      %dma_start3A_18 = tpu.memref_slice %arg6[%arg0, %mul3A_2, %dma_start3A_17] : memref<2x10240x64xbf16, #tpu.memory_space<hbm>> -> memref<1x640x64xbf16, #tpu.memory_space<hbm>>
      %dma_start3A_19 = tpu.memref_squeeze %dma_start3A_18 : memref<1x640x64xbf16, #tpu.memory_space<hbm>> -> memref<640x64xbf16, #tpu.memory_space<hbm>>
      %dma_start3A_20 = arith.constant 0 : i32
      %dma_start3A_21 = tpu.memref_slice %arg7[%mul3A_2, %dma_start3A_20] : memref<10240x64xbf16, #tpu.memory_space<vmem_shared>> -> memref<640x64xbf16, #tpu.memory_space<vmem_shared>>
      tpu.enqueue_dma source(%dma_start3A_21 : memref<640x64xbf16, #tpu.memory_space<vmem_shared>>) target(%dma_start3A_19 : memref<640x64xbf16, #tpu.memory_space<hbm>>) target_semaphore(%run_scoped3A : memref<!tpu.dma_semaphore, #tpu.memory_space<semaphore_mem>>)
      %dma_wait3A = arith.constant 0 : i32
      %dma_wait3A_22 = tpu.memref_slice %arg6[%arg0, %mul3A_2, %dma_wait3A] : memref<2x10240x64xbf16, #tpu.memory_space<hbm>> -> memref<1x640x64xbf16, #tpu.memory_space<hbm>>
      %dma_wait3A_23 = tpu.memref_squeeze %dma_wait3A_22 : memref<1x640x64xbf16, #tpu.memory_space<hbm>> -> memref<640x64xbf16, #tpu.memory_space<hbm>>
      %dma_wait3A_24 = arith.constant 0 : i32
      %dma_wait3A_25 = tpu.memref_slice %arg7[%mul3A_2, %dma_wait3A_24] : memref<10240x64xbf16, #tpu.memory_space<vmem_shared>> -> memref<640x64xbf16, #tpu.memory_space<vmem_shared>>
      tpu.wait_dma2 semaphore(%run_scoped3A : memref<!tpu.dma_semaphore, #tpu.memory_space<semaphore_mem>>) src(%dma_wait3A_25 : memref<640x64xbf16, #tpu.memory_space<vmem_shared>>) dst(%dma_wait3A_23 : memref<640x64xbf16, #tpu.memory_space<hbm>>)
      tpu.yield
    }) : () -> ()
    return
  }
}

#map = affine_map<(d0, d1) -> (0, 0)>
#map1 = affine_map<(d0, d1) -> (0)>
#map2 = affine_map<(d0, d1) -> (0, 0, 0)>
module attributes {stable_mosaic.version = 14 : i64} {
  func.func @k(%arg0: i32, %arg1: i32, %arg2: memref<10240x64xbf16, #tpu.memory_space<hbm>>, %arg3: memref<320000xi32, #tpu.memory_space<hbm>>, %arg4: memref<320000xi32, #tpu.memory_space<hbm>>, %arg5: memref<10240x64xbf16, #tpu.memory_space<hbm>>, %arg6: memref<2x10240x64xbf16, #tpu.memory_space<hbm>>, %arg7: memref<10240x64xbf16, #tpu.memory_space<vmem_shared>>, %arg8: memref<10000xi32, #tpu.memory_space<vmem>>, %arg9: memref<10000xi32, #tpu.memory_space<vmem>>, %arg10: memref<1000x64xbf16, #tpu.memory_space<vmem>>, %arg11: memref<1000x64xbf16, #tpu.memory_space<vmem>>, %arg12: memref<!tpu.dma_semaphore, #tpu.memory_space<semaphore_mem>>, %arg13: memref<!tpu.dma_semaphore, #tpu.memory_space<semaphore_mem>>) attributes {dimension_semantics = [#tpu.dimension_semantics<core_parallel>, #tpu.dimension_semantics<subcore_parallel>], iteration_bounds = array<i64: 2, 16>, scalar_prefetch = 0 : i64, scratch_operands = 7 : i64, tpu.core_type = #tpu.core_type<sc_vector_subcore>, window_params = [{transform_indices = #map}, {transform_indices = #map1}, {transform_indices = #map1}, {transform_indices = #map}, {transform_indices = #map2}]} {
    %mul3A = arith.constant 2 : i32
    %mul3A_0 = arith.muli %arg1, %mul3A : i32
    %add3A = arith.addi %mul3A_0, %arg0 : i32
    %mul3A_1 = arith.constant 640 : i32
    %mul3A_2 = arith.muli %arg1, %mul3A_1 : i32
    "tpu.region"() ({
      %run_scoped3A = tpu.sem_alloc : memref<!tpu.dma_semaphore, #tpu.memory_space<semaphore_mem>>
      %dma_start3A_17 = arith.constant 0 : i32
      %dma_start3A_18 = tpu.memref_slice %arg7[%mul3A_2, %dma_start3A_17] : memref<10240x64xbf16, #tpu.memory_space<vmem_shared>> -> memref<640x64xbf16, #tpu.memory_space<vmem_shared>>
      %dma_start3A_19 = arith.constant 0 : i32
      %dma_start3A_20 = tpu.memref_slice %arg5[%mul3A_2, %dma_start3A_19] : memref<10240x64xbf16, #tpu.memory_space<hbm>> -> memref<640x64xbf16, #tpu.memory_space<hbm>>
      tpu.enqueue_dma source(%dma_start3A_20 : memref<640x64xbf16, #tpu.memory_space<hbm>>) target(%dma_start3A_18 : memref<640x64xbf16, #tpu.memory_space<vmem_shared>>) target_semaphore(%run_scoped3A : memref<!tpu.dma_semaphore, #tpu.memory_space<semaphore_mem>>)
      %dma_wait3A = arith.constant 0 : i32
      %dma_wait3A_21 = tpu.memref_slice %arg7[%mul3A_2, %dma_wait3A] : memref<10240x64xbf16, #tpu.memory_space<vmem_shared>> -> memref<640x64xbf16, #tpu.memory_space<vmem_shared>>
      %dma_wait3A_22 = arith.constant 0 : i32
      %dma_wait3A_23 = tpu.memref_slice %arg5[%mul3A_2, %dma_wait3A_22] : memref<10240x64xbf16, #tpu.memory_space<hbm>> -> memref<640x64xbf16, #tpu.memory_space<hbm>>
      tpu.wait_dma2 semaphore(%run_scoped3A : memref<!tpu.dma_semaphore, #tpu.memory_space<semaphore_mem>>) src(%dma_wait3A_23 : memref<640x64xbf16, #tpu.memory_space<hbm>>) dst(%dma_wait3A_21 : memref<640x64xbf16, #tpu.memory_space<vmem_shared>>)
      tpu.yield
    }) : () -> ()
    %mul3A_3 = arith.constant 10000 : i32
    %mul3A_4 = arith.muli %add3A, %mul3A_3 : i32
    "tpu.region"() ({
      %run_scoped3A = tpu.sem_alloc : memref<!tpu.dma_semaphore, #tpu.memory_space<semaphore_mem>>
      %dma_start3A_17 = tpu.memref_slice %arg4[%mul3A_4] : memref<320000xi32, #tpu.memory_space<hbm>> -> memref<10000xi32, #tpu.memory_space<hbm>>
      %dma_start3A_18 = tpu.memref_slice %arg4[%mul3A_4] : memref<320000xi32, #tpu.memory_space<hbm>> -> memref<10000xi32, #tpu.memory_space<hbm>>
      tpu.enqueue_dma source(%dma_start3A_18 : memref<10000xi32, #tpu.memory_space<hbm>>) target(%arg8 : memref<10000xi32, #tpu.memory_space<vmem>>) target_semaphore(%run_scoped3A : memref<!tpu.dma_semaphore, #tpu.memory_space<semaphore_mem>>)
      %dma_wait3A = tpu.memref_slice %arg4[%mul3A_4] : memref<320000xi32, #tpu.memory_space<hbm>> -> memref<10000xi32, #tpu.memory_space<hbm>>
      %dma_wait3A_19 = tpu.memref_slice %arg4[%mul3A_4] : memref<320000xi32, #tpu.memory_space<hbm>> -> memref<10000xi32, #tpu.memory_space<hbm>>
      tpu.wait_dma2 semaphore(%run_scoped3A : memref<!tpu.dma_semaphore, #tpu.memory_space<semaphore_mem>>) src(%dma_wait3A_19 : memref<10000xi32, #tpu.memory_space<hbm>>) dst(%arg8 : memref<10000xi32, #tpu.memory_space<vmem>>)
      tpu.yield
    }) : () -> ()
    %mul3A_5 = arith.constant 10000 : i32
    %mul3A_6 = arith.muli %add3A, %mul3A_5 : i32
    "tpu.region"() ({
      %run_scoped3A = tpu.sem_alloc : memref<!tpu.dma_semaphore, #tpu.memory_space<semaphore_mem>>
      %dma_start3A_17 = tpu.memref_slice %arg3[%mul3A_6] : memref<320000xi32, #tpu.memory_space<hbm>> -> memref<10000xi32, #tpu.memory_space<hbm>>
      %dma_start3A_18 = tpu.memref_slice %arg3[%mul3A_6] : memref<320000xi32, #tpu.memory_space<hbm>> -> memref<10000xi32, #tpu.memory_space<hbm>>
      tpu.enqueue_dma source(%dma_start3A_18 : memref<10000xi32, #tpu.memory_space<hbm>>) target(%arg9 : memref<10000xi32, #tpu.memory_space<vmem>>) target_semaphore(%run_scoped3A : memref<!tpu.dma_semaphore, #tpu.memory_space<semaphore_mem>>)
      %dma_wait3A = tpu.memref_slice %arg3[%mul3A_6] : memref<320000xi32, #tpu.memory_space<hbm>> -> memref<10000xi32, #tpu.memory_space<hbm>>
      %dma_wait3A_19 = tpu.memref_slice %arg3[%mul3A_6] : memref<320000xi32, #tpu.memory_space<hbm>> -> memref<10000xi32, #tpu.memory_space<hbm>>
      tpu.wait_dma2 semaphore(%run_scoped3A : memref<!tpu.dma_semaphore, #tpu.memory_space<semaphore_mem>>) src(%dma_wait3A_19 : memref<10000xi32, #tpu.memory_space<hbm>>) dst(%arg9 : memref<10000xi32, #tpu.memory_space<vmem>>)
      tpu.yield
    }) : () -> ()
    %barrier3A = arith.constant 0 : index
    tpu.barrier barrier_id(%barrier3A)
    %dma_start3A = arith.constant 0 : i32
    %dma_start3A_7 = tpu.memref_slice %arg8[%dma_start3A] : memref<10000xi32, #tpu.memory_space<vmem>> -> memref<1000xi32, #tpu.memory_space<vmem>>
    %dma_start3A_8 = arith.constant 0 : i32
    %dma_start3A_9 = arith.constant 0 : i32
    %dma_start3A_10 = tpu.memref_slice %arg2[%dma_start3A_8, %dma_start3A_9] : memref<10240x64xbf16, #tpu.memory_space<hbm>> -> memref<10240x64xbf16, #tpu.memory_space<hbm>>
    tpu.enqueue_indirect_dma source(%dma_start3A_10 : memref<10240x64xbf16, #tpu.memory_space<hbm>>) target(%arg10 : memref<1000x64xbf16, #tpu.memory_space<vmem>>) offsets(%dma_start3A_7 : memref<1000xi32, #tpu.memory_space<vmem>>) semaphore(%arg12 : memref<!tpu.dma_semaphore, #tpu.memory_space<semaphore_mem>>)
    %scan3A = arith.constant 0 : i32
    %scan3A_11 = arith.constant 0 : i32
    %scan3A_12 = arith.constant 5 : i32
    %scan3A_13 = arith.addi %scan3A_11, %scan3A_12 : i32
    %scan3A_14 = arith.constant 1 : i32
    scf.for %scan3A_17 = %scan3A_11 to %scan3A_13 step %scan3A_14  : i32 {
      %mul3A_18 = arith.constant 2 : i32
      %mul3A_19 = arith.muli %mul3A_18, %scan3A_17 : i32
      %mul3A_20 = arith.constant 1000 : i32
      %mul3A_21 = arith.muli %mul3A_19, %mul3A_20 : i32
      %add3A_22 = arith.constant 1000 : i32
      %add3A_23 = arith.addi %mul3A_21, %add3A_22 : i32
      %dma_start3A_24 = tpu.memref_slice %arg8[%add3A_23] : memref<10000xi32, #tpu.memory_space<vmem>> -> memref<1000xi32, #tpu.memory_space<vmem>>
      %dma_start3A_25 = arith.constant 0 : i32
      %dma_start3A_26 = arith.constant 0 : i32
      %dma_start3A_27 = tpu.memref_slice %arg2[%dma_start3A_25, %dma_start3A_26] : memref<10240x64xbf16, #tpu.memory_space<hbm>> -> memref<10240x64xbf16, #tpu.memory_space<hbm>>
      tpu.enqueue_indirect_dma source(%dma_start3A_27 : memref<10240x64xbf16, #tpu.memory_space<hbm>>) target(%arg11 : memref<1000x64xbf16, #tpu.memory_space<vmem>>) offsets(%dma_start3A_24 : memref<1000xi32, #tpu.memory_space<vmem>>) semaphore(%arg13 : memref<!tpu.dma_semaphore, #tpu.memory_space<semaphore_mem>>)
      %dma_wait3A = tpu.memref_slice %arg8[%mul3A_21] : memref<10000xi32, #tpu.memory_space<vmem>> -> memref<1000xi32, #tpu.memory_space<vmem>>
      %dma_wait3A_28 = arith.constant 0 : i32
      %dma_wait3A_29 = arith.constant 0 : i32
      %dma_wait3A_30 = tpu.memref_slice %arg2[%dma_wait3A_28, %dma_wait3A_29] : memref<10240x64xbf16, #tpu.memory_space<hbm>> -> memref<10240x64xbf16, #tpu.memory_space<hbm>>
      tpu.wait_indirect_dma semaphore(%arg12 : memref<!tpu.dma_semaphore, #tpu.memory_space<semaphore_mem>>) src(%dma_wait3A_30 : memref<10240x64xbf16, #tpu.memory_space<hbm>>) dst(%arg10 : memref<1000x64xbf16, #tpu.memory_space<vmem>>)
      "tpu.region"() ({
        %run_scoped3A = tpu.sem_alloc : memref<!tpu.dma_semaphore, #tpu.memory_space<semaphore_mem>>
        %dma_start3A_43 = tpu.memref_slice %arg9[%mul3A_21] : memref<10000xi32, #tpu.memory_space<vmem>> -> memref<1000xi32, #tpu.memory_space<vmem>>
        %dma_start3A_44 = arith.constant 0 : i32
        %dma_start3A_45 = arith.constant 0 : i32
        %dma_start3A_46 = tpu.memref_slice %arg7[%dma_start3A_44, %dma_start3A_45] : memref<10240x64xbf16, #tpu.memory_space<vmem_shared>> -> memref<10240x64xbf16, #tpu.memory_space<vmem_shared>>
        tpu.enqueue_indirect_dma source(%arg10 : memref<1000x64xbf16, #tpu.memory_space<vmem>>) target(%dma_start3A_46 : memref<10240x64xbf16, #tpu.memory_space<vmem_shared>>) offsets(%dma_start3A_43 : memref<1000xi32, #tpu.memory_space<vmem>>) semaphore(%run_scoped3A : memref<!tpu.dma_semaphore, #tpu.memory_space<semaphore_mem>>) {add = true}
        %dma_wait3A_47 = tpu.memref_slice %arg9[%mul3A_21] : memref<10000xi32, #tpu.memory_space<vmem>> -> memref<1000xi32, #tpu.memory_space<vmem>>
        %dma_wait3A_48 = arith.constant 0 : i32
        %dma_wait3A_49 = arith.constant 0 : i32
        %dma_wait3A_50 = tpu.memref_slice %arg7[%dma_wait3A_48, %dma_wait3A_49] : memref<10240x64xbf16, #tpu.memory_space<vmem_shared>> -> memref<10240x64xbf16, #tpu.memory_space<vmem_shared>>
        tpu.wait_indirect_dma semaphore(%run_scoped3A : memref<!tpu.dma_semaphore, #tpu.memory_space<semaphore_mem>>) src(%arg10 : memref<1000x64xbf16, #tpu.memory_space<vmem>>) dst(%dma_wait3A_50 : memref<10240x64xbf16, #tpu.memory_space<vmem_shared>>)
        tpu.yield
      }) : () -> ()
      %add3A_31 = arith.constant 2000 : i32
      %add3A_32 = arith.addi %mul3A_21, %add3A_31 : i32
      %lt3A = arith.constant 10000 : i32
      %lt3A_33 = arith.cmpi slt, %add3A_32, %lt3A : i32
      %convert_element_type3A = arith.extui %lt3A_33 : i1 to i32
      %cond3A = arith.constant 0 : i32
      %cond3A_34 = arith.cmpi ne, %convert_element_type3A, %cond3A : i32
      scf.if %cond3A_34 {
        %add3A_43 = arith.constant 2000 : i32
        %add3A_44 = arith.addi %mul3A_21, %add3A_43 : i32
        %dma_start3A_45 = tpu.memref_slice %arg8[%add3A_44] : memref<10000xi32, #tpu.memory_space<vmem>> -> memref<1000xi32, #tpu.memory_space<vmem>>
        %dma_start3A_46 = arith.constant 0 : i32
        %dma_start3A_47 = arith.constant 0 : i32
        %dma_start3A_48 = tpu.memref_slice %arg2[%dma_start3A_46, %dma_start3A_47] : memref<10240x64xbf16, #tpu.memory_space<hbm>> -> memref<10240x64xbf16, #tpu.memory_space<hbm>>
        tpu.enqueue_indirect_dma source(%dma_start3A_48 : memref<10240x64xbf16, #tpu.memory_space<hbm>>) target(%arg10 : memref<1000x64xbf16, #tpu.memory_space<vmem>>) offsets(%dma_start3A_45 : memref<1000xi32, #tpu.memory_space<vmem>>) semaphore(%arg12 : memref<!tpu.dma_semaphore, #tpu.memory_space<semaphore_mem>>)
      } else {
      }
      %add3A_35 = arith.constant 1000 : i32
      %add3A_36 = arith.addi %mul3A_21, %add3A_35 : i32
      %dma_wait3A_37 = tpu.memref_slice %arg8[%add3A_36] : memref<10000xi32, #tpu.memory_space<vmem>> -> memref<1000xi32, #tpu.memory_space<vmem>>
      %dma_wait3A_38 = arith.constant 0 : i32
      %dma_wait3A_39 = arith.constant 0 : i32
      %dma_wait3A_40 = tpu.memref_slice %arg2[%dma_wait3A_38, %dma_wait3A_39] : memref<10240x64xbf16, #tpu.memory_space<hbm>> -> memref<10240x64xbf16, #tpu.memory_space<hbm>>
      tpu.wait_indirect_dma semaphore(%arg13 : memref<!tpu.dma_semaphore, #tpu.memory_space<semaphore_mem>>) src(%dma_wait3A_40 : memref<10240x64xbf16, #tpu.memory_space<hbm>>) dst(%arg11 : memref<1000x64xbf16, #tpu.memory_space<vmem>>)
      %add3A_41 = arith.constant 1000 : i32
      %add3A_42 = arith.addi %mul3A_21, %add3A_41 : i32
      "tpu.region"() ({
        %run_scoped3A = tpu.sem_alloc : memref<!tpu.dma_semaphore, #tpu.memory_space<semaphore_mem>>
        %dma_start3A_43 = tpu.memref_slice %arg9[%add3A_42] : memref<10000xi32, #tpu.memory_space<vmem>> -> memref<1000xi32, #tpu.memory_space<vmem>>
        %dma_start3A_44 = arith.constant 0 : i32
        %dma_start3A_45 = arith.constant 0 : i32
        %dma_start3A_46 = tpu.memref_slice %arg7[%dma_start3A_44, %dma_start3A_45] : memref<10240x64xbf16, #tpu.memory_space<vmem_shared>> -> memref<10240x64xbf16, #tpu.memory_space<vmem_shared>>
        tpu.enqueue_indirect_dma source(%arg11 : memref<1000x64xbf16, #tpu.memory_space<vmem>>) target(%dma_start3A_46 : memref<10240x64xbf16, #tpu.memory_space<vmem_shared>>) offsets(%dma_start3A_43 : memref<1000xi32, #tpu.memory_space<vmem>>) semaphore(%run_scoped3A : memref<!tpu.dma_semaphore, #tpu.memory_space<semaphore_mem>>) {add = true}
        %dma_wait3A_47 = tpu.memref_slice %arg9[%add3A_42] : memref<10000xi32, #tpu.memory_space<vmem>> -> memref<1000xi32, #tpu.memory_space<vmem>>
        %dma_wait3A_48 = arith.constant 0 : i32
        %dma_wait3A_49 = arith.constant 0 : i32
        %dma_wait3A_50 = tpu.memref_slice %arg7[%dma_wait3A_48, %dma_wait3A_49] : memref<10240x64xbf16, #tpu.memory_space<vmem_shared>> -> memref<10240x64xbf16, #tpu.memory_space<vmem_shared>>
        tpu.wait_indirect_dma semaphore(%run_scoped3A : memref<!tpu.dma_semaphore, #tpu.memory_space<semaphore_mem>>) src(%arg11 : memref<1000x64xbf16, #tpu.memory_space<vmem>>) dst(%dma_wait3A_50 : memref<10240x64xbf16, #tpu.memory_space<vmem_shared>>)
        tpu.yield
      }) : () -> ()
    }
    %scan3A_15 = arith.constant 5 : i32
    %barrier3A_16 = arith.constant 0 : index
    tpu.barrier barrier_id(%barrier3A_16)
    "tpu.region"() ({
      %run_scoped3A = tpu.sem_alloc : memref<!tpu.dma_semaphore, #tpu.memory_space<semaphore_mem>>
      %dma_start3A_17 = arith.constant 0 : i32
      %dma_start3A_18 = tpu.memref_slice %arg6[%arg0, %mul3A_2, %dma_start3A_17] : memref<2x10240x64xbf16, #tpu.memory_space<hbm>> -> memref<1x640x64xbf16, #tpu.memory_space<hbm>>
      %dma_start3A_19 = tpu.memref_squeeze %dma_start3A_18 : memref<1x640x64xbf16, #tpu.memory_space<hbm>> -> memref<640x64xbf16, #tpu.memory_space<hbm>>
      %dma_start3A_20 = arith.constant 0 : i32
      %dma_start3A_21 = tpu.memref_slice %arg7[%mul3A_2, %dma_start3A_20] : memref<10240x64xbf16, #tpu.memory_space<vmem_shared>> -> memref<640x64xbf16, #tpu.memory_space<vmem_shared>>
      tpu.enqueue_dma source(%dma_start3A_21 : memref<640x64xbf16, #tpu.memory_space<vmem_shared>>) target(%dma_start3A_19 : memref<640x64xbf16, #tpu.memory_space<hbm>>) target_semaphore(%run_scoped3A : memref<!tpu.dma_semaphore, #tpu.memory_space<semaphore_mem>>)
      %dma_wait3A = arith.constant 0 : i32
      %dma_wait3A_22 = tpu.memref_slice %arg6[%arg0, %mul3A_2, %dma_wait3A] : memref<2x10240x64xbf16, #tpu.memory_space<hbm>> -> memref<1x640x64xbf16, #tpu.memory_space<hbm>>
      %dma_wait3A_23 = tpu.memref_squeeze %dma_wait3A_22 : memref<1x640x64xbf16, #tpu.memory_space<hbm>> -> memref<640x64xbf16, #tpu.memory_space<hbm>>
      %dma_wait3A_24 = arith.constant 0 : i32
      %dma_wait3A_25 = tpu.memref_slice %arg7[%mul3A_2, %dma_wait3A_24] : memref<10240x64xbf16, #tpu.memory_space<vmem_shared>> -> memref<640x64xbf16, #tpu.memory_space<vmem_shared>>
      tpu.wait_dma2 semaphore(%run_scoped3A : memref<!tpu.dma_semaphore, #tpu.memory_space<semaphore_mem>>) src(%dma_wait3A_25 : memref<640x64xbf16, #tpu.memory_space<vmem_shared>>) dst(%dma_wait3A_23 : memref<640x64xbf16, #tpu.memory_space<hbm>>)
      tpu.yield
    }) : () -> ()
    return
  }
}

module attributes {stable_mosaic.version = 14 : i64} {
  func.func @_mm_first_body(%arg0: memref<10240x128xf32, #tpu.memory_space<vmem>>, %arg1: memref<64x128xf32, #tpu.memory_space<vmem>>, %arg2: memref<10240x64xbf16, #tpu.memory_space<vmem>>) attributes {dimension_semantics = [], scalar_prefetch = 0 : i64, scratch_operands = 0 : i64, tpu.core_type = #tpu.core_type<tc>} {
    %get3A = arith.constant 0 : index
    %get3A_0 = arith.constant 0 : index
    %get3A_1 = vector.load %arg0[%get3A, %get3A_0] : memref<10240x128xf32, #tpu.memory_space<vmem>>, vector<10240x128xf32>
    %get3A_2 = arith.constant 0 : index
    %get3A_3 = arith.constant 0 : index
    %get3A_4 = vector.load %arg1[%get3A_2, %get3A_3] : memref<64x128xf32, #tpu.memory_space<vmem>>, vector<64x128xf32>
    %dot_general3A = arith.constant dense<0.000000e+00> : vector<10240x64xf32>
    %dot_general3A_5 = tpu.matmul %get3A_1, %get3A_4, %dot_general3A {dimension_numbers = #tpu.dot_dimension_numbers<[1], [1], [0], [0], [0, 0, 1, 0], [], []>, transpose_lhs_hint = false} : vector<10240x128xf32>, vector<64x128xf32>, vector<10240x64xf32> -> vector<10240x64xf32>
    %convert_element_type3A = arith.truncf %dot_general3A_5 : vector<10240x64xf32> to vector<10240x64xbf16>
    %swap3A = arith.constant 0 : index
    %swap3A_6 = arith.constant 0 : index
    %swap3A_7 = vector.load %arg2[%swap3A, %swap3A_6] : memref<10240x64xbf16, #tpu.memory_space<vmem>>, vector<10240x64xbf16>
    tpu.vector_store %arg2[%swap3A, %swap3A_6], %convert_element_type3A {strides = array<i32>} : memref<10240x64xbf16, #tpu.memory_space<vmem>>, vector<10240x64xbf16>,
    return
  }
}

module attributes {stable_mosaic.version = 14 : i64} {
  func.func @_mm_layer_body(%arg0: memref<2x10240x64xbf16, #tpu.memory_space<vmem>>, %arg1: memref<1x64xf32, #tpu.memory_space<vmem>>, %arg2: memref<64x64xf32, #tpu.memory_space<vmem>>, %arg3: memref<10240x64xbf16, #tpu.memory_space<vmem>>) attributes {dimension_semantics = [], scalar_prefetch = 0 : i64, scratch_operands = 0 : i64, tpu.core_type = #tpu.core_type<tc>} {
    %get3A = arith.constant 0 : index
    %get3A_0 = arith.constant 0 : index
    %get3A_1 = arith.constant 0 : index
    %get3A_2 = vector.load %arg0[%get3A, %get3A_0, %get3A_1] : memref<2x10240x64xbf16, #tpu.memory_space<vmem>>, vector<1x10240x64xbf16>
    %get3A_3 = vector.shape_cast %get3A_2 : vector<1x10240x64xbf16> to vector<10240x64xbf16>
    %convert_element_type3A = arith.extf %get3A_3 : vector<10240x64xbf16> to vector<10240x64xf32>
    %get3A_4 = arith.constant 1 : index
    %get3A_5 = arith.constant 0 : index
    %get3A_6 = arith.constant 0 : index
    %get3A_7 = vector.load %arg0[%get3A_4, %get3A_5, %get3A_6] : memref<2x10240x64xbf16, #tpu.memory_space<vmem>>, vector<1x10240x64xbf16>
    %get3A_8 = vector.shape_cast %get3A_7 : vector<1x10240x64xbf16> to vector<10240x64xbf16>
    %convert_element_type3A_9 = arith.extf %get3A_8 : vector<10240x64xbf16> to vector<10240x64xf32>
    %add3A = arith.addf %convert_element_type3A, %convert_element_type3A_9 : vector<10240x64xf32>
    %get3A_10 = arith.constant 0 : index
    %get3A_11 = arith.constant 0 : index
    %get3A_12 = vector.load %arg1[%get3A_10, %get3A_11] : memref<1x64xf32, #tpu.memory_space<vmem>>, vector<1x64xf32>
    %add3A_13 = vector.broadcast %get3A_12 : vector<1x64xf32> to vector<10240x64xf32>
    %add3A_14 = arith.addf %add3A, %add3A_13 : vector<10240x64xf32>
    %max3A = arith.constant 0.000000e+00 : f32
    %max3A_15 = vector.broadcast %max3A : f32 to vector<10240x64xf32>
    %max3A_16 = arith.maximumf %add3A_14, %max3A_15 : vector<10240x64xf32>
    %get3A_17 = arith.constant 0 : index
    %get3A_18 = arith.constant 0 : index
    %get3A_19 = vector.load %arg2[%get3A_17, %get3A_18] : memref<64x64xf32, #tpu.memory_space<vmem>>, vector<64x64xf32>
    %dot_general3A = arith.constant dense<0.000000e+00> : vector<10240x64xf32>
    %dot_general3A_20 = tpu.matmul %max3A_16, %get3A_19, %dot_general3A {dimension_numbers = #tpu.dot_dimension_numbers<[1], [1], [0], [0], [0, 0, 1, 0], [], []>, transpose_lhs_hint = false} : vector<10240x64xf32>, vector<64x64xf32>, vector<10240x64xf32> -> vector<10240x64xf32>
    %convert_element_type3A_21 = arith.truncf %dot_general3A_20 : vector<10240x64xf32> to vector<10240x64xbf16>
    %swap3A = arith.constant 0 : index
    %swap3A_22 = arith.constant 0 : index
    %swap3A_23 = vector.load %arg3[%swap3A, %swap3A_22] : memref<10240x64xbf16, #tpu.memory_space<vmem>>, vector<10240x64xbf16>
    tpu.vector_store %arg3[%swap3A, %swap3A_22], %convert_element_type3A_21 {strides = array<i32>} : memref<10240x64xbf16, #tpu.memory_space<vmem>>, vector<10240x64xbf16>,
    return
  }
}

module attributes {stable_mosaic.version = 14 : i64} {
  func.func @_head_body(%arg0: memref<2x10240x64xbf16, #tpu.memory_space<vmem>>, %arg1: memref<1x64xf32, #tpu.memory_space<vmem>>, %arg2: memref<1x128xf32, #tpu.memory_space<vmem>>, %arg3: memref<32x192xf32, #tpu.memory_space<vmem>>, %arg4: memref<1x32xf32, #tpu.memory_space<vmem>>, %arg5: memref<1x32xf32, #tpu.memory_space<vmem>>, %arg6: memref<1x128xf32, #tpu.memory_space<vmem>>, %arg7: memref<1x128xf32, #tpu.memory_space<vmem>>) attributes {dimension_semantics = [], scalar_prefetch = 0 : i64, scratch_operands = 0 : i64, tpu.core_type = #tpu.core_type<tc>} {
    %get3A = arith.constant 0 : index
    %get3A_0 = arith.constant 0 : index
    %get3A_1 = arith.constant 0 : index
    %get3A_2 = vector.load %arg0[%get3A, %get3A_0, %get3A_1] : memref<2x10240x64xbf16, #tpu.memory_space<vmem>>, vector<1x10000x64xbf16>
    %get3A_3 = vector.shape_cast %get3A_2 : vector<1x10000x64xbf16> to vector<10000x64xbf16>
    %convert_element_type3A = arith.extf %get3A_3 : vector<10000x64xbf16> to vector<10000x64xf32>
    %get3A_4 = arith.constant 1 : index
    %get3A_5 = arith.constant 0 : index
    %get3A_6 = arith.constant 0 : index
    %get3A_7 = vector.load %arg0[%get3A_4, %get3A_5, %get3A_6] : memref<2x10240x64xbf16, #tpu.memory_space<vmem>>, vector<1x10000x64xbf16>
    %get3A_8 = vector.shape_cast %get3A_7 : vector<1x10000x64xbf16> to vector<10000x64xbf16>
    %convert_element_type3A_9 = arith.extf %get3A_8 : vector<10000x64xbf16> to vector<10000x64xf32>
    %add3A = arith.addf %convert_element_type3A, %convert_element_type3A_9 : vector<10000x64xf32>
    %get3A_10 = arith.constant 0 : index
    %get3A_11 = arith.constant 0 : index
    %get3A_12 = vector.load %arg1[%get3A_10, %get3A_11] : memref<1x64xf32, #tpu.memory_space<vmem>>, vector<1x64xf32>
    %add3A_13 = vector.broadcast %get3A_12 : vector<1x64xf32> to vector<10000x64xf32>
    %add3A_14 = arith.addf %add3A, %add3A_13 : vector<10000x64xf32>
    %max3A = arith.constant 0.000000e+00 : f32
    %max3A_15 = vector.broadcast %max3A : f32 to vector<10000x64xf32>
    %max3A_16 = arith.maximumf %add3A_14, %max3A_15 : vector<10000x64xf32>
    %reduce_sum3A = arith.constant dense<0.000000e+00> : vector<64xf32>
    %reduce_sum3A_17 = vector.multi_reduction <add>, %max3A_16, %reduce_sum3A [0] : vector<10000x64xf32> to vector<64xf32>
    %broadcast_in_dim3A = vector.shape_cast %reduce_sum3A_17 : vector<64xf32> to vector<1x64xf32>
    %mul3A = arith.constant 9.99999974E-5 : f32
    %mul3A_18 = vector.broadcast %mul3A : f32 to vector<1x64xf32>
    %mul3A_19 = arith.mulf %broadcast_in_dim3A, %mul3A_18 : vector<1x64xf32>
    %get3A_20 = arith.constant 0 : index
    %get3A_21 = arith.constant 0 : index
    %get3A_22 = vector.load %arg2[%get3A_20, %get3A_21] : memref<1x128xf32, #tpu.memory_space<vmem>>, vector<1x128xf32>
    %concatenate3A = tpu.concatenate %mul3A_19, %get3A_22 in 1 : vector<1x64xf32>, vector<1x128xf32> -> vector<1x192xf32>
    %get3A_23 = arith.constant 0 : index
    %get3A_24 = arith.constant 0 : index
    %get3A_25 = vector.load %arg3[%get3A_23, %get3A_24] : memref<32x192xf32, #tpu.memory_space<vmem>>, vector<32x192xf32>
    %dot_general3A = arith.constant dense<0.000000e+00> : vector<1x32xf32>
    %dot_general3A_26 = tpu.matmul %concatenate3A, %get3A_25, %dot_general3A {dimension_numbers = #tpu.dot_dimension_numbers<[1], [1], [0], [0], [0, 0, 1, 0], [], []>, transpose_lhs_hint = false} : vector<1x192xf32>, vector<32x192xf32>, vector<1x32xf32> -> vector<1x32xf32>
    %get3A_27 = arith.constant 0 : index
    %get3A_28 = arith.constant 0 : index
    %get3A_29 = vector.load %arg4[%get3A_27, %get3A_28] : memref<1x32xf32, #tpu.memory_space<vmem>>, vector<1x32xf32>
    %add3A_30 = arith.addf %dot_general3A_26, %get3A_29 : vector<1x32xf32>
    %max3A_31 = arith.constant 0.000000e+00 : f32
    %max3A_32 = vector.broadcast %max3A_31 : f32 to vector<1x32xf32>
    %max3A_33 = arith.maximumf %add3A_30, %max3A_32 : vector<1x32xf32>
    %get3A_34 = arith.constant 0 : index
    %get3A_35 = arith.constant 0 : index
    %get3A_36 = vector.load %arg5[%get3A_34, %get3A_35] : memref<1x32xf32, #tpu.memory_space<vmem>>, vector<1x32xf32>
    %mul3A_37 = arith.mulf %max3A_33, %get3A_36 : vector<1x32xf32>
    %reduce_sum3A_38 = vector.shape_cast %mul3A_37 : vector<1x32xf32> to vector<1x1x32xf32>
    %reduce_sum3A_39 = arith.constant dense<0.000000e+00> : vector<1xf32>
    %reduce_sum3A_40 = vector.multi_reduction <add>, %reduce_sum3A_38, %reduce_sum3A_39 [1, 2] : vector<1x1x32xf32> to vector<1xf32>
    %reduce_sum3A_41 = vector.shape_cast %reduce_sum3A_40 : vector<1xf32> to vector<1x1x1xf32>
    %reduce_sum3A_42 = vector.extract %reduce_sum3A_41[0, 0, 0] : f32 from vector<1x1x1xf32>
    %get3A_43 = arith.constant 0 : index
    %get3A_44 = arith.constant 0 : index
    %get3A_45 = vector.load %arg6[%get3A_43, %get3A_44] : memref<1x128xf32, #tpu.memory_space<vmem>>, vector<1x128xf32>
    %add3A_46 = vector.broadcast %reduce_sum3A_42 : f32 to vector<1x128xf32>
    %add3A_47 = arith.addf %add3A_46, %get3A_45 : vector<1x128xf32>
    %logistic3A = arith.negf %add3A_47 : vector<1x128xf32>
    %logistic3A_48 = math.exp %logistic3A : vector<1x128xf32>
    %logistic3A_49 = arith.constant 1.000000e+00 : f32
    %logistic3A_50 = vector.broadcast %logistic3A_49 : f32 to vector<1x128xf32>
    %logistic3A_51 = arith.addf %logistic3A_50, %logistic3A_48 : vector<1x128xf32>
    %logistic3A_52 = arith.divf %logistic3A_50, %logistic3A_51 : vector<1x128xf32>
    %swap3A = arith.constant 0 : index
    %swap3A_53 = arith.constant 0 : index
    %swap3A_54 = vector.load %arg7[%swap3A, %swap3A_53] : memref<1x128xf32, #tpu.memory_space<vmem>>, vector<1x128xf32>
    tpu.vector_store %arg7[%swap3A, %swap3A_53], %logistic3A_52 {strides = array<i32>} : memref<1x128xf32, #tpu.memory_space<vmem>>, vector<1x128xf32>,
    return
  }
}

</mosaic_0001>

<sc_bundles>
// kernel: kernel.12.cloned.1.call-start
scs
__scs_entry_jumppad:
0x0: {  	(pc) =	sbr.rel $0x88, $3  }
0x1: {  	(tag) =	ssettag $0x0;
	lr =	simm.s32 $0x1  }
0x2: {  	[smem:$0x3F94] =	sst lr;
	_ =	strace $0xD0000000  }
0x3: {  	_ = 	snop  }
0x4: {  	_ = 	snop  }
0x5: {  	_ = 	snop  }
0x6: {  	_ = 	snop  }
0x7: {  	_ = 	snop  }
__scs_overlays_trampoline_lowered:
0x8: {  	[smem:$0x3FA3] =	sst s0  }
0x9: {  	[smem:$0x3FA4] =	sst s1  }
0xa: {  	[smem:$0x3FA5] =	sst s2  }
0xb: {  	[smem:$0x3FA6] =	sst s3  }
0xc: {  	[smem:$0x3FA7] =	sst s4  }
0xd: {  	[smem:$0x3FA8] =	sst s5  }
0xe: {  	[smem:$0x3FA9] =	sst s6  }
0xf: {  	[smem:$0x3FAA] =	sst s7  }
0x10: {  	[smem:$0x3FAB] =	sst s8  }
0x11: {  	[smem:$0x3FAC] =	sst s9;
	s0 =	simm.s32 @!p0 $0x0  }
0x12: {  	s1 =	sld [smem:$0x3F92];
	s0 =	simm.s32 @p0 $0x1  }
0x13: {  	[smem:$0x3FAD] =	sst s0;
	s0 =	simm.s32 @!p1 $0x0  }
0x14: {  	s2 =	sld [smem:$0x3F91];
	s0 =	simm.s32 @p1 $0x1  }
0x15: {  	[smem:$0x3FAE] =	sst s0;
	s0 =	simm.s32 @!p2 $0x0  }
0x16: {  	s3 =	sld [smem:$0x3FDB];
	s0 =	simm.s32 @p2 $0x1  }
0x17: {  	s4 =	simm.s32 $0x1BF5;
	[smem:$0x3FB0] =	sst s0  }
0x18: {  	s0 =	sld [smem:$0x3F93];
	_ =	swait.ge [sflag:s4], $0x0  }
0x19: {  	s7 =	sld [smem:$0x3F94]  }
0x1a: {  	s8 =	sadd.s32 $0xFFFFE003, lr  }
0x1b: {  	s9 =	sadd.s32 $0xFFFFFEF7, lr;
	s5 =	simm.s32 $0xFFFFFFFF;
	p2 =	slt.u32 s8, $0xFFFFF086  }
0x1c: {  	p1 =	slt.u32 s9, $0xF7A;
	s5 =	simm.s32 @!p2 $0x0  }
0x1d: {  	s5 =	simm.s32 @p1 $0x1;
	p0 =	seq.s32 s7, s2  }
0x1e: {  	s7 =	smul.u32 @!p0 $0xF7A, s2;
	p2 =	seq.s32 @!p0 s5, $0x0  }
0x1f: {  	s9 =	smul.u32 $0xF7A, s1;
	s8 =	simm.s32 @!p0 $0x1BF5;
	p2 =	por !p2, p0  }
0x20: {  	[sflag:s8] =	ssyncset.s32 @!p0 $0xFFFFF086;
	s6 =	sadd.s32 @!p0 s3, s7;
	s7 =	simm.s32 @!p0 $0x108  }
0x21: {  	s3 =	sadd.s32 s3, s9;
	s6 =	sadd.s32 @!p0 $0x88, s6;
	s7 =	simm.s32 @p2 $0x1082  }
0x22: {  	[simem:s7], [sflag:s8] =	dma.local @!p0 [hbm:s6], $0xF7A  }
0x23: {  	s9 =	sor.u32 $0xD0000000, s2;
	s6 =	simm.s32 $0x108;
	_ =	swait.ge @!p0 [sflag:s8], $0x0  }
0x24: {  	s3 =	sadd.s32 $0x88, s3;
	s6 =	simm.s32 @!p1 $0x1082;
	[sflag:s4] =	ssyncset.s32 $0xFFFFF086  }
0x25: {  	[simem:s6], [sflag:s4] =	dma.local [hbm:s3], $0xF7A  }
0x26: {  	[smem:$0x3F94] =	sst s1;
	(tag) =	ssettag s2;
	_ =	strace s9  }
0x27: {  	s1 =	sld [smem:$0x3FA4]  }
0x28: {  	s2 =	sld [smem:$0x3FA5]  }
0x29: {  	s4 =	sld [smem:$0x3FA7]  }
0x2a: {  	p0 =	seq.s32 s5, $0x0;
	s5 =	sld [smem:$0x3FA8]  }
0x2b: {  	s6 =	sld [smem:$0x3FA9]  }
0x2c: {  	s7 =	sld [smem:$0x3FAA]  }
0x2d: {  	s3 =	simm.s32 $0x108;
	s8 =	sld [smem:$0x3FAB]  }
0x2e: {  	s3 =	simm.s32 @!p0 $0x1082;
	s9 =	sld [smem:$0x3FAC]  }
0x2f: {  	lr =	sadd.s32 s0, s3;
	s0 =	sld [smem:$0x3FA3]  }
0x30: {  	s3 =	sld [smem:$0x3FA6]  }
0x31: {  	[smem:$0x3FAF] =	sst s10  }
0x32: {  	s10 =	sld [smem:$0x3FAD];
	_ =	sdelay $0x3  }
0x33: {  	p0 =	seq.s32 s10, $0x1;
	s10 =	sld [smem:$0x3FAF];
	_ =	sdelay $0x3  }
0x34: {  	[smem:$0x3FAF] =	sst s10  }
0x35: {  	s10 =	sld [smem:$0x3FAE];
	_ =	sdelay $0x3  }
0x36: {  	p1 =	seq.s32 s10, $0x1;
	s10 =	sld [smem:$0x3FAF];
	_ =	sdelay $0x3  }
0x37: {  	[smem:$0x3FAF] =	sst s10  }
0x38: {  	s10 =	sld [smem:$0x3FB0]  }
0x39: {  	_ = 	snop;
	(pc) =	sbr.ind lr, $3  }
0x3a: {  	_ = 	snop  }
0x3b: {  	_ = 	snop  }
0x3c: {  	p2 =	seq.s32 s10, $0x1;
	s10 =	sld [smem:$0x3FAF]  }
0x3d: {  	_ =	shalt  }
0x3e: {  	_ =	shalt  }
0x3f: {  	_ =	shalt  }
0x40: {  	_ =	shalt  }
0x41: {  	_ =	shalt  }
0x42: {  	_ =	shalt  }
0x43: {  	_ =	shalt  }
0x44: {  	_ =	shalt  }
0x45: {  	_ =	shalt  }
0x46: {  	_ =	shalt  }
0x47: {  	_ =	shalt  }
0x48: {  	_ =	shalt  }
0x49: {  	_ =	shalt  }
0x4a: {  	_ =	shalt  }
0x4b: {  	_ =	shalt  }
0x4c: {  	_ =	shalt  }
0x4d: {  	_ =	shalt  }
0x4e: {  	_ =	shalt  }
0x4f: {  	_ =	shalt  }
0x50: {  	_ =	shalt  }
0x51: {  	_ =	shalt  }
0x52: {  	_ =	shalt  }
0x53: {  	_ =	shalt  }
0x54: {  	_ =	shalt  }
0x55: {  	_ =	shalt  }
0x56: {  	_ =	shalt  }
0x57: {  	_ =	shalt  }
0x58: {  	_ =	shalt  }
0x59: {  	_ =	shalt  }
0x5a: {  	_ =	shalt  }
0x5b: {  	_ =	shalt  }
0x5c: {  	_ =	shalt  }
0x5d: {  	_ =	shalt  }
0x5e: {  	_ =	shalt  }
0x5f: {  	_ =	shalt  }
0x60: {  	_ =	shalt  }
0x61: {  	_ =	shalt  }
0x62: {  	_ =	shalt  }
0x63: {  	_ =	shalt  }
0x64: {  	_ =	shalt  }
0x65: {  	_ =	shalt  }
0x66: {  	_ =	shalt  }
0x67: {  	_ =	shalt  }
0x68: {  	_ =	shalt  }
0x69: {  	_ =	shalt  }
0x6a: {  	_ =	shalt  }
0x6b: {  	_ =	shalt  }
0x6c: {  	_ =	shalt  }
0x6d: {  	_ =	shalt  }
0x6e: {  	_ =	shalt  }
0x6f: {  	_ =	shalt  }
0x70: {  	_ =	shalt  }
0x71: {  	_ =	shalt  }
0x72: {  	_ =	shalt  }
0x73: {  	_ =	shalt  }
0x74: {  	_ =	shalt  }
0x75: {  	_ =	shalt  }
0x76: {  	_ =	shalt  }
0x77: {  	_ =	shalt  }
0x78: {  	_ =	shalt  }
0x79: {  	_ =	shalt  }
0x7a: {  	_ =	shalt  }
0x7b: {  	_ =	shalt  }
0x7c: {  	_ =	shalt  }
0x7d: {  	_ =	shalt  }
0x7e: {  	_ =	shalt  }
0x7f: {  	_ =	shalt  }
0x80: {  	_ =	shalt  }
0x81: {  	_ =	shalt  }
0x82: {  	_ =	shalt  }
0x83: {  	_ =	shalt  }
0x84: {  	_ =	shalt  }
0x85: {  	_ =	shalt  }
0x86: {  	_ =	shalt  }
0x87: {  	_ =	shalt  }
.Lfunc_end0:
.L_simem_size_0:
called_computation.1_lowered:
.L_overlay_start_0:
0x88: {  	s2 =	sld [smem:$0x3FD9]  }
0x89: {  	s3 =	sld [smem:$0x3FFE];
	_ =	sdelay $0x1  }
0x8a: {  	s1 =	srdreg.scid  }
0x8b: {  	s0 =	sand.u32 $0x1, s1  }
0x8c: {  	s16 =	sshll.u32 s0, $0xA;
	s2 =	sadd.s32 s3, s2  }
0x8d: {  	s2 =	sadd.s32 s2, s16  }
0x8e: {  	[smem:$0x3FBB] =	sst s2  }
0x8f: {  	_ = 	snop  }
0x90: {  	(tm) =	ssettm $0x1  }
0x91: {  	s17 =	sld [smem:$0x3FFB];
	_ =	sdelay $0x3  }
0x92: {  	_ =	strace s17  }
0x93: {  	s2 =	sld [smem:$0x3FFC];
	_ =	sdelay $0x3  }
0x94: {  	_ =	strace s2  }
0x95: {  	s2 =	sld [smem:$0x3FFD];
	_ =	sdelay $0x3  }
0x96: {  	_ =	strace s2  }
0x97: {  	_ =	strace $0x8FFFFFFF  }
0x98: {  	s18 =	sld [smem:$0x3FDB];
	_ =	sdelay $0x1  }
0x99: {  	s19 =	simm.s32 $_scs_section_size  }
0x9a: {  	s4 =	simm.s32 $_size__tile_overlayer_lowered;
	s5 =	simm.s32 $_tile_overlayer_lowered  }
0x9b: {  	s22 =	simm.s32 $0x1BFF;
	s21 =	sshll.u32 s5, $0x1;
	s2 =	sadd.s32 s19, s18  }
0x9c: {  	s6 =	simm.s32 $0x0;
	s20 =	sshll.u32 s4, $0x1;
	s4 =	sadd.s32 s21, s2  }
0x9d: {  	[timem:s6], [sflag:s22] =	dma.local [hbm:s4], s20  }
0x9e: {  	_ =	swait.ge [sflag:s22], s20  }
0x9f: {  	s3 =	ssub.s32 $0x0, s20;
	[sflag:s22] =	ssyncset.done $0x0  }
0xa0: {  	[sflag:s22] =	ssyncadd.s32 s3;
	_ =	sdelay $0x1  }
0xa1: {  	s23 =	simm.s32 $0x1B8B  }
0xa2: {  	_ =	swait.ge [sflag:s23], $0x1  }
0xa3: {  	[sflag:s23] =	ssyncset.done $0x0  }
0xa4: {  	s25 =	simm.s32 $0x1B8E;
	s24 =	sld [smem:$0x3FFE];
	[sflag:s23] =	ssyncadd.s32 $0xFFFFFFFF  }
0xa5: {  	s26 =	simm.s32 $execute0_lowered;
	[smem:$0x3FD2] =	sst s25  }
0xa6: {  	s4 =	sshll.u32 s26, $0x1;
	_ =	strace $0x80000049;
	[dreg:$0x1] =	wrdreg $0xFFFFFFFF  }
0xa7: {  	s28 =	simm.s32 $_size_execute0_lowered;
	s2 =	sadd.s32 s2, s4;
	[dreg:$0x0] =	wrdreg $0x0  }
0xa8: {  	s4 =	sshll.u32 s28, $0x1;
	[dreg:$0x2] =	wrdreg s2  }
0xa9: {  	[dreg:$0x3] =	wrdreg s4  }
0xaa: {  	[dreg:$0x4] =	wrdreg $0xC0  }
0xab: {  	_ =	task [dreg:s6], $0x5FFFF  }
0xac: {  	[dreg:$0x1] =	wrdreg $0xFFFFFFFF  }
0xad: {  	[dreg:$0x0] =	wrdreg $0x60  }
0xae: {  	[dreg:$0x2] =	wrdreg s24  }
0xaf: {  	[dreg:$0x3] =	wrdreg $0x0  }
0xb0: {  	[dreg:$0x4] =	wrdreg $0x9  }
0xb1: {  	_ =	task.clear_ibuf [dreg:s6], $0x5FFFF;
	_ =	strace $0x90000049  }
0xb2: {  	s29 =	simm.s32 $0x9;
	_ =	strace $0x8000004B  }
0xb3: {  	_ =	swait.ge [sflag:s29], $0x1  }
0xb4: {  	[sflag:s29] =	ssyncadd.s32 $0xFFFFFFFF  }
0xb5: {  	_ =	strace $0x9000004B  }
0xb6: {  	_ =	sfence  }
0xb7: {  	s30 =	sld [smem:$0x0];
	_ =	sdelay $0x2  }
0xb8: {  	s31 =	sshll.u32 s1, $0xD;
	s1 =	sshrl.u32 s1, $0x2  }
0xb9: {  	s3 =	sand.u32 $0x4000, s31;
	s1 =	sadd.s32 s1, s30  }
0xba: {  	s0 =	sor.u32 s3, s0;
	s1 =	sshll.u32 s1, $0x11  }
0xbb: {  	s0 =	sor.u32 s1, s0  }
0xbc: {  	s0 =	sadd.s32 $0x8F2B, s0  }
0xbd: {  	[sflag:s0] =	ssyncadd.remote.s32 $0x1  }
0xbe: {  	_ =	sfence.sel $0xFFFF  }
0xbf: {  	[dreg:$0x0] =	wrdreg $0xFFFFFFFF;
	(pc) =	sbr.abs _section_cstart, $3  }
0xc0: {  	[dreg:$0x1] =	wrdreg $0xFFFFFFFF  }
0xc1: {  	_ =	task.clear_ibuf [dreg:s6], $0x2FFFF;
	_ =	strace $0x9FFFFFFF  }
0xc2: {  	(tm) =	ssettm $0x7FFFFFFF  }
0xc3: {  	_ =	shalt  }
tec
execute0_lowered:
.L_overlay_start_1:
0x0: {  	(tag) =	ssettag $0x1  }
0x1: {  	s1 =	srdreg.scid;
	s9 =	rddreg [dreg:$0x0]  }
0x2: {  	s0 =	stileid.u32;
	s2 =	rddreg [dreg:$0x1];
	s24 =	simm.s32 $0x53E8  }
0x3: {  	s8 =	simm.s32 $0x57D0;
	s1 =	sand.u32 $0x1, s1;
	s3 =	sshll.u32 s0, $0x1  }
0x4: {  	s5 =	smul.u32 $0xA000, s0;
	s4 =	sor.u32 s1, s3;
	s3 =	simm.s32 $0x0  }
0x5: {  	s23 =	sshll.u32 s0, $0x6;
	s7 =	smul.u32 $0xA0000, s1;
	[smem:$0x7FF] =	sst s3  }
0x6: {  	s4 =	smul.u32 $0x4E2, s4;
	s6 =	sshrl.u32 s5, $0x4;
	_ =	strace $0x8000004A  }
0x7: {  	s6 =	sadd.s32 s6, s9;
	s7 =	sadd.s32 s5, s7;
	[dreg:$0x7] =	wrdreg s24  }
0x8: {  	[dreg:$0x8] =	wrdreg s8;
	s4 =	sadd.s32 s4, s9;
	s6 =	sadd.s32 $0x15600, s6  }
0x9: {  	s5 =	sshrl.u32 s5, $0x1;
	[dreg:$0x3] =	wrdreg s6;
	s21 =	sadd.s32 $0x1A00, s4  }
0xa: {  	s7 =	sshrl.u32 s7, $0x4;
	s4 =	sadd.s32 $0xB800, s4;
	[dreg:$0x4] =	wrdreg s21  }
0xb: {  	s5 =	sadd.s32 s5, s2;
	s7 =	sadd.s32 s7, s9;
	[dreg:$0x5] =	wrdreg s4  }
0xc: {  	s6 =	sshrl.u32 s5, $0x3;
	s22 =	sadd.s32 $0x29600, s7;
	s25 =	rddreg [dreg:$0x3]  }
0xd: {  	s5 =	simm.s32 $0x3;
	s4 =	sor.u32 $0x1C03, s23;
	[dreg:$0x6] =	wrdreg s22  }
0xe: {  	[spmem:s6], [sflag:s4] =	dma.local [hbm:s25], $0xA00  }
0xf: {  	_ =	swait.ge [sflag:s5], $0xA00  }
0x10: {  	[sflag:s5] =	ssyncset.done $0x0  }
0x11: {  	s7 =	simm.s32 $0x5000;
	s26 =	rddreg [dreg:$0x4];
	[sflag:s5] =	ssyncadd.s32 $0xFFFFF600  }
0x12: {  	[tilespmem:s7], [sflag:$0x3] =	stream.linear.gather [hbm4b:s26+s3], $0x2710, $0x38;
	[tilespmem:$0x19820] =	vst v63  }
0x13: {  	_ =	swait.ge [sflag:s5], $0x2710  }
0x14: {  	[sflag:s5] =	ssyncset.done $0x0  }
0x15: {  	s8 =	simm.s32 $0x7710;
	s10 =	rddreg [dreg:$0x5];
	[sflag:s5] =	ssyncadd.s32 $0xFFFFD8F0  }
0x16: {  	[tilespmem:s8], [sflag:$0x3] =	stream.linear.gather [hbm4b:s10+s3], $0x2710, $0x38;
	[tilespmem:$0x19820] =	vst v63  }
0x17: {  	_ =	swait.ge [sflag:s5], $0x2710  }
0x18: {  	[sflag:s5] =	ssyncset.done $0x0  }
0x19: {  	s11 =	simm.s32 $0x9E20;
	[sflag:s5] =	ssyncadd.s32 $0xFFFFD8F0  }
0x1a: {  	s9 =	sadd.s32 $0x1F600, s9;
	s10 =	simm.s32 $0x3E8;
	[bflag:$0x0] =	sbarrier.arrive $0xFFFF  }
0x1b: {  	[tilespmem:s11], [sflag:$0x1] =	stream.indirect.gather [hbm4b:s9+s10], $0x20, s7, s10, $0xb8;
	[tilespmem:$0x19820] =	vst v63  }
0x1c: {  	s12 =	simm.s32 $0x11B20;
	s13 =	simm.s32 $0x1;
	s14 =	rddreg [dreg:$0x7]  }
0x1d: {  	[tilespmem:s12], [sflag:$0x2] =	stream.indirect.gather [hbm4b:s9+s10], $0x20, s14, s10, $0xb8;
	[tilespmem:$0x19820] =	vst v63  }
0x1e: {  	_ =	swait.ge [sflag:s13], $0x7D00  }
0x1f: {  	[sflag:s13] =	ssyncset.done $0x0  }
0x20: {  	[sflag:s13] =	ssyncadd.s32 $0xFFFF8300  }
0x21: {  	[spmem:s2] =	stream.indirect.scatter.add.bf16 [tilespmem:s11], [sflag:$0x3], $0x20, s8, s10, $0xb8;
	[tilespmem:$0x19820] =	vst v63  }
0x22: {  	_ =	swait.ge [sflag:s5], $0x7D00  }
0x23: {  	[sflag:s5] =	ssyncset.done $0x0  }
0x24: {  	s14 =	simm.s32 $0x2;
	s15 =	rddreg [dreg:$0x8];
	[sflag:s5] =	ssyncadd.s32 $0xFFFF8300  }
0x25: {  	[tilespmem:s11], [sflag:$0x1] =	stream.indirect.gather [hbm4b:s9+s10], $0x20, s15, s10, $0xb8;
	[tilespmem:$0x19820] =	vst v63  }
0x26: {  	_ =	swait.ge [sflag:s14], $0x7D00  }
0x27: {  	[sflag:s14] =	ssyncset.done $0x0  }
0x28: {  	s15 =	simm.s32 $0x7AF8;
	[sflag:s14] =	ssyncadd.s32 $0xFFFF8300  }
0x29: {  	[spmem:s2] =	stream.indirect.scatter.add.bf16 [tilespmem:s12], [sflag:$0x3], $0x20, s15, s10, $0xb8;
	[tilespmem:$0x19820] =	vst v63  }
0x2a: {  	_ =	swait.ge [sflag:s5], $0x7D00  }
0x2b: {  	[sflag:s5] =	ssyncset.done $0x0  }
0x2c: {  	s16 =	simm.s32 $0x5BB8;
	[sflag:s5] =	ssyncadd.s32 $0xFFFF8300  }
0x2d: {  	[tilespmem:s12], [sflag:$0x2] =	stream.indirect.gather [hbm4b:s9+s10], $0x20, s16, s10, $0xb8;
	[tilespmem:$0x19820] =	vst v63  }
0x2e: {  	_ =	swait.ge [sflag:s13], $0x7D00  }
0x2f: {  	[sflag:s13] =	ssyncset.done $0x0  }
0x30: {  	s17 =	simm.s32 $0x7EE0;
	[sflag:s13] =	ssyncadd.s32 $0xFFFF8300  }
0x31: {  	[spmem:s2] =	stream.indirect.scatter.add.bf16 [tilespmem:s11], [sflag:$0x3], $0x20, s17, s10, $0xb8;
	[tilespmem:$0x19820] =	vst v63  }
0x32: {  	_ =	swait.ge [sflag:s5], $0x7D00  }
0x33: {  	[sflag:s5] =	ssyncset.done $0x0  }
0x34: {  	s18 =	simm.s32 $0x5FA0;
	[sflag:s5] =	ssyncadd.s32 $0xFFFF8300  }
0x35: {  	[tilespmem:s11], [sflag:$0x1] =	stream.indirect.gather [hbm4b:s9+s10], $0x20, s18, s10, $0xb8;
	[tilespmem:$0x19820] =	vst v63  }
0x36: {  	_ =	swait.ge [sflag:s14], $0x7D00  }
0x37: {  	[sflag:s14] =	ssyncset.done $0x0  }
0x38: {  	s19 =	simm.s32 $0x82C8;
	[sflag:s14] =	ssyncadd.s32 $0xFFFF8300  }
0x39: {  	[spmem:s2] =	stream.indirect.scatter.add.bf16 [tilespmem:s12], [sflag:$0x3], $0x20, s19, s10, $0xb8;
	[tilespmem:$0x19820] =	vst v63  }
0x3a: {  	_ =	swait.ge [sflag:s5], $0x7D00  }
0x3b: {  	[sflag:s5] =	ssyncset.done $0x0  }
0x3c: {  	s20 =	simm.s32 $0x6388;
	[sflag:s5] =	ssyncadd.s32 $0xFFFF8300  }
0x3d: {  	[tilespmem:s12], [sflag:$0x2] =	stream.indirect.gather [hbm4b:s9+s10], $0x20, s20, s10, $0xb8;
	[tilespmem:$0x19820] =	vst v63  }
0x3e: {  	_ =	swait.ge [sflag:s13], $0x7D00  }
0x3f: {  	[sflag:s13] =	ssyncset.done $0x0  }
0x40: {  	s21 =	simm.s32 $0x86B0;
	[sflag:s13] =	ssyncadd.s32 $0xFFFF8300  }
0x41: {  	[spmem:s2] =	stream.indirect.scatter.add.bf16 [tilespmem:s11], [sflag:$0x3], $0x20, s21, s10, $0xb8;
	[tilespmem:$0x19820] =	vst v63  }
0x42: {  	_ =	swait.ge [sflag:s5], $0x7D00  }
0x43: {  	[sflag:s5] =	ssyncset.done $0x0  }
0x44: {  	s22 =	simm.s32 $0x6770;
	[sflag:s5] =	ssyncadd.s32 $0xFFFF8300  }
0x45: {  	[tilespmem:s11], [sflag:$0x1] =	stream.indirect.gather [hbm4b:s9+s10], $0x20, s22, s10, $0xb8;
	[tilespmem:$0x19820] =	vst v63  }
0x46: {  	_ =	swait.ge [sflag:s14], $0x7D00  }
0x47: {  	[sflag:s14] =	ssyncset.done $0x0  }
0x48: {  	s23 =	simm.s32 $0x8A98;
	[sflag:s14] =	ssyncadd.s32 $0xFFFF8300  }
0x49: {  	[spmem:s2] =	stream.indirect.scatter.add.bf16 [tilespmem:s12], [sflag:$0x3], $0x20, s23, s10, $0xb8;
	[tilespmem:$0x19820] =	vst v63  }
0x4a: {  	_ =	swait.ge [sflag:s5], $0x7D00  }
0x4b: {  	[sflag:s5] =	ssyncset.done $0x0  }
0x4c: {  	s24 =	simm.s32 $0x6B58;
	[sflag:s5] =	ssyncadd.s32 $0xFFFF8300  }
0x4d: {  	[tilespmem:s12], [sflag:$0x2] =	stream.indirect.gather [hbm4b:s9+s10], $0x20, s24, s10, $0xb8;
	[tilespmem:$0x19820] =	vst v63  }
0x4e: {  	_ =	swait.ge [sflag:s13], $0x7D00  }
0x4f: {  	[sflag:s13] =	ssyncset.done $0x0  }
0x50: {  	s25 =	simm.s32 $0x8E80;
	[sflag:s13] =	ssyncadd.s32 $0xFFFF8300  }
0x51: {  	[spmem:s2] =	stream.indirect.scatter.add.bf16 [tilespmem:s11], [sflag:$0x3], $0x20, s25, s10, $0xb8;
	[tilespmem:$0x19820] =	vst v63  }
0x52: {  	_ =	swait.ge [sflag:s5], $0x7D00  }
0x53: {  	[sflag:s5] =	ssyncset.done $0x0  }
0x54: {  	s26 =	simm.s32 $0x6F40;
	[sflag:s5] =	ssyncadd.s32 $0xFFFF8300  }
0x55: {  	[tilespmem:s11], [sflag:$0x1] =	stream.indirect.gather [hbm4b:s9+s10], $0x20, s26, s10, $0xb8;
	[tilespmem:$0x19820] =	vst v63  }
0x56: {  	_ =	swait.ge [sflag:s14], $0x7D00  }
0x57: {  	[sflag:s14] =	ssyncset.done $0x0  }
0x58: {  	s28 =	simm.s32 $0x9268;
	[sflag:s14] =	ssyncadd.s32 $0xFFFF8300  }
0x59: {  	[spmem:s2] =	stream.indirect.scatter.add.bf16 [tilespmem:s12], [sflag:$0x3], $0x20, s28, s10, $0xb8;
	[tilespmem:$0x19820] =	vst v63  }
0x5a: {  	_ =	swait.ge [sflag:s5], $0x7D00  }
0x5b: {  	[sflag:s5] =	ssyncset.done $0x0  }
0x5c: {  	s29 =	simm.s32 $0x7328;
	[sflag:s5] =	ssyncadd.s32 $0xFFFF8300  }
0x5d: {  	[tilespmem:s12], [sflag:$0x2] =	stream.indirect.gather [hbm4b:s9+s10], $0x20, s29, s10, $0xb8;
	[tilespmem:$0x19820] =	vst v63  }
0x5e: {  	_ =	swait.ge [sflag:s13], $0x7D00  }
0x5f: {  	[sflag:s13] =	ssyncset.done $0x0  }
0x60: {  	s30 =	simm.s32 $0x9650;
	[sflag:s13] =	ssyncadd.s32 $0xFFFF8300  }
0x61: {  	[spmem:s2] =	stream.indirect.scatter.add.bf16 [tilespmem:s11], [sflag:$0x3], $0x20, s30, s10, $0xb8;
	[tilespmem:$0x19820] =	vst v63  }
0x62: {  	_ =	swait.ge [sflag:s5], $0x7D00  }
0x63: {  	[sflag:s5] =	ssyncset.done $0x0  }
0x64: {  	[sflag:s5] =	ssyncadd.s32 $0xFFFF8300  }
0x65: {  	_ =	swait.ge [sflag:s14], $0x7D00  }
0x66: {  	[sflag:s14] =	ssyncset.done $0x0  }
0x67: {  	s31 =	simm.s32 $0x9A38;
	[sflag:s14] =	ssyncadd.s32 $0xFFFF8300  }
0x68: {  	[spmem:s2] =	stream.indirect.scatter.add.bf16 [tilespmem:s12], [sflag:$0x3], $0x20, s31, s10, $0xb8;
	[tilespmem:$0x19820] =	vst v63  }
0x69: {  	_ =	swait.ge [sflag:s5], $0x7D00  }
0x6a: {  	[sflag:s5] =	ssyncset.done $0x0  }
0x6b: {  	[sflag:s5] =	ssyncadd.s32 $0xFFFF8300  }
0x6c: {  	[bflag:$0x0] =	sbarrier.arrive $0xFFFF  }
0x6d: {  	s1 =	ssub.s32 $0x2, s1;
	s0 =	rddreg [dreg:$0x6]  }
0x6e: {  	[dreg:$0x9] =	wrdreg s0;
	s0 =	sshrl.u32 s1, $0x1  }
0x6f: {  	s0 =	ssub.s32 s1, s0  }
0x70: {  	s0 =	smax.u32 s0, $0x1  }
0x71: {  	p0 =	sne.s32 s0, $0x1  }
.Ltmp0:
0x72: {  	_ = 	snop;
	(pc) =	sbr.rel @!p0 .LBB2_2-.Ltmp0, $4  }
0x73: {  	_ = 	snop  }
0x74: {  	s1 =	rddreg [dreg:$0x9]  }
0x75: {  	[hbm:s1], [sflag:s4] =	dma.local [spmem:s6], $0xA00  }
0x76: {  	s1 =	sadd.s32 $0xFFFFFFFF, s0;
	_ =	swait.ge [sflag:s5], $0xA00  }
.LBB2_1:
0x77: {  	[sflag:s5] =	ssyncset.done $0x0  }
0x78: {  	s0 =	rddreg [dreg:$0x3];
	[sflag:s5] =	ssyncadd.s32 $0xFFFFF600  }
0x79: {  	[spmem:s6], [sflag:s4] =	dma.local [hbm:s0], $0xA00  }
0x7a: {  	_ =	swait.ge [sflag:s5], $0xA00  }
0x7b: {  	[sflag:s5] =	ssyncset.done $0x0  }
0x7c: {  	s0 =	rddreg [dreg:$0x4];
	[sflag:s5] =	ssyncadd.s32 $0xFFFFF600  }
0x7d: {  	[tilespmem:s7], [sflag:$0x3] =	stream.linear.gather [hbm4b:s0+s3], $0x2710, $0x38;
	[tilespmem:$0x19820] =	vst v63  }
0x7e: {  	_ =	swait.ge [sflag:s5], $0x2710  }
0x7f: {  	[sflag:s5] =	ssyncset.done $0x0  }
0x80: {  	s0 =	rddreg [dreg:$0x5];
	[sflag:s5] =	ssyncadd.s32 $0xFFFFD8F0  }
0x81: {  	[tilespmem:s8], [sflag:$0x3] =	stream.linear.gather [hbm4b:s0+s3], $0x2710, $0x38;
	[tilespmem:$0x19820] =	vst v63  }
0x82: {  	_ =	swait.ge [sflag:s5], $0x2710  }
0x83: {  	[sflag:s5] =	ssyncset.done $0x0  }
0x84: {  	[sflag:s5] =	ssyncadd.s32 $0xFFFFD8F0  }
0x85: {  	[bflag:$0x0] =	sbarrier.arrive $0xFFFF  }
0x86: {  	[tilespmem:s11], [sflag:$0x1] =	stream.indirect.gather [hbm4b:s9+s10], $0x20, s7, s10, $0xb8;
	[tilespmem:$0x19820] =	vst v63  }
0x87: {  	s0 =	rddreg [dreg:$0x7]  }
0x88: {  	[tilespmem:s12], [sflag:$0x2] =	stream.indirect.gather [hbm4b:s9+s10], $0x20, s0, s10, $0xb8;
	[tilespmem:$0x19820] =	vst v63  }
0x89: {  	_ =	swait.ge [sflag:s13], $0x7D00  }
0x8a: {  	[sflag:s13] =	ssyncset.done $0x0  }
0x8b: {  	[sflag:s13] =	ssyncadd.s32 $0xFFFF8300  }
0x8c: {  	[spmem:s2] =	stream.indirect.scatter.add.bf16 [tilespmem:s11], [sflag:$0x3], $0x20, s8, s10, $0xb8;
	[tilespmem:$0x19820] =	vst v63  }
0x8d: {  	_ =	swait.ge [sflag:s5], $0x7D00  }
0x8e: {  	[sflag:s5] =	ssyncset.done $0x0  }
0x8f: {  	s0 =	rddreg [dreg:$0x8];
	[sflag:s5] =	ssyncadd.s32 $0xFFFF8300  }
0x90: {  	[tilespmem:s11], [sflag:$0x1] =	stream.indirect.gather [hbm4b:s9+s10], $0x20, s0, s10, $0xb8;
	[tilespmem:$0x19820] =	vst v63  }
0x91: {  	_ =	swait.ge [sflag:s14], $0x7D00  }
0x92: {  	[sflag:s14] =	ssyncset.done $0x0  }
0x93: {  	[sflag:s14] =	ssyncadd.s32 $0xFFFF8300  }
0x94: {  	[spmem:s2] =	stream.indirect.scatter.add.bf16 [tilespmem:s12], [sflag:$0x3], $0x20, s15, s10, $0xb8;
	[tilespmem:$0x19820] =	vst v63  }
0x95: {  	_ =	swait.ge [sflag:s5], $0x7D00  }
0x96: {  	[sflag:s5] =	ssyncset.done $0x0  }
0x97: {  	[sflag:s5] =	ssyncadd.s32 $0xFFFF8300  }
0x98: {  	[tilespmem:s12], [sflag:$0x2] =	stream.indirect.gather [hbm4b:s9+s10], $0x20, s16, s10, $0xb8;
	[tilespmem:$0x19820] =	vst v63  }
0x99: {  	_ =	swait.ge [sflag:s13], $0x7D00  }
0x9a: {  	[sflag:s13] =	ssyncset.done $0x0  }
0x9b: {  	[sflag:s13] =	ssyncadd.s32 $0xFFFF8300  }
0x9c: {  	[spmem:s2] =	stream.indirect.scatter.add.bf16 [tilespmem:s11], [sflag:$0x3], $0x20, s17, s10, $0xb8;
	[tilespmem:$0x19820] =	vst v63  }
0x9d: {  	_ =	swait.ge [sflag:s5], $0x7D00  }
0x9e: {  	[sflag:s5] =	ssyncset.done $0x0  }
0x9f: {  	[sflag:s5] =	ssyncadd.s32 $0xFFFF8300  }
0xa0: {  	[tilespmem:s11], [sflag:$0x1] =	stream.indirect.gather [hbm4b:s9+s10], $0x20, s18, s10, $0xb8;
	[tilespmem:$0x19820] =	vst v63  }
0xa1: {  	_ =	swait.ge [sflag:s14], $0x7D00  }
0xa2: {  	[sflag:s14] =	ssyncset.done $0x0  }
0xa3: {  	[sflag:s14] =	ssyncadd.s32 $0xFFFF8300  }
0xa4: {  	[spmem:s2] =	stream.indirect.scatter.add.bf16 [tilespmem:s12], [sflag:$0x3], $0x20, s19, s10, $0xb8;
	[tilespmem:$0x19820] =	vst v63  }
0xa5: {  	_ =	swait.ge [sflag:s5], $0x7D00  }
0xa6: {  	[sflag:s5] =	ssyncset.done $0x0  }
0xa7: {  	[sflag:s5] =	ssyncadd.s32 $0xFFFF8300  }
0xa8: {  	[tilespmem:s12], [sflag:$0x2] =	stream.indirect.gather [hbm4b:s9+s10], $0x20, s20, s10, $0xb8;
	[tilespmem:$0x19820] =	vst v63  }
0xa9: {  	_ =	swait.ge [sflag:s13], $0x7D00  }
0xaa: {  	[sflag:s13] =	ssyncset.done $0x0  }
0xab: {  	[sflag:s13] =	ssyncadd.s32 $0xFFFF8300  }
0xac: {  	[spmem:s2] =	stream.indirect.scatter.add.bf16 [tilespmem:s11], [sflag:$0x3], $0x20, s21, s10, $0xb8;
	[tilespmem:$0x19820] =	vst v63  }
0xad: {  	_ =	swait.ge [sflag:s5], $0x7D00  }
0xae: {  	[sflag:s5] =	ssyncset.done $0x0  }
0xaf: {  	[sflag:s5] =	ssyncadd.s32 $0xFFFF8300  }
0xb0: {  	[tilespmem:s11], [sflag:$0x1] =	stream.indirect.gather [hbm4b:s9+s10], $0x20, s22, s10, $0xb8;
	[tilespmem:$0x19820] =	vst v63  }
0xb1: {  	_ =	swait.ge [sflag:s14], $0x7D00  }
0xb2: {  	[sflag:s14] =	ssyncset.done $0x0  }
0xb3: {  	[sflag:s14] =	ssyncadd.s32 $0xFFFF8300  }
0xb4: {  	[spmem:s2] =	stream.indirect.scatter.add.bf16 [tilespmem:s12], [sflag:$0x3], $0x20, s23, s10, $0xb8;
	[tilespmem:$0x19820] =	vst v63  }
0xb5: {  	_ =	swait.ge [sflag:s5], $0x7D00  }
0xb6: {  	[sflag:s5] =	ssyncset.done $0x0  }
0xb7: {  	[sflag:s5] =	ssyncadd.s32 $0xFFFF8300  }
0xb8: {  	[tilespmem:s12], [sflag:$0x2] =	stream.indirect.gather [hbm4b:s9+s10], $0x20, s24, s10, $0xb8;
	[tilespmem:$0x19820] =	vst v63  }
0xb9: {  	_ =	swait.ge [sflag:s13], $0x7D00  }
0xba: {  	[sflag:s13] =	ssyncset.done $0x0  }
0xbb: {  	[sflag:s13] =	ssyncadd.s32 $0xFFFF8300  }
0xbc: {  	[spmem:s2] =	stream.indirect.scatter.add.bf16 [tilespmem:s11], [sflag:$0x3], $0x20, s25, s10, $0xb8;
	[tilespmem:$0x19820] =	vst v63  }
0xbd: {  	_ =	swait.ge [sflag:s5], $0x7D00  }
0xbe: {  	[sflag:s5] =	ssyncset.done $0x0  }
0xbf: {  	[sflag:s5] =	ssyncadd.s32 $0xFFFF8300  }
0xc0: {  	[tilespmem:s11], [sflag:$0x1] =	stream.indirect.gather [hbm4b:s9+s10], $0x20, s26, s10, $0xb8;
	[tilespmem:$0x19820] =	vst v63  }
0xc1: {  	_ =	swait.ge [sflag:s14], $0x7D00  }
0xc2: {  	[sflag:s14] =	ssyncset.done $0x0  }
0xc3: {  	[sflag:s14] =	ssyncadd.s32 $0xFFFF8300  }
0xc4: {  	[spmem:s2] =	stream.indirect.scatter.add.bf16 [tilespmem:s12], [sflag:$0x3], $0x20, s28, s10, $0xb8;
	[tilespmem:$0x19820] =	vst v63  }
0xc5: {  	_ =	swait.ge [sflag:s5], $0x7D00  }
0xc6: {  	[sflag:s5] =	ssyncset.done $0x0  }
0xc7: {  	[sflag:s5] =	ssyncadd.s32 $0xFFFF8300  }
0xc8: {  	[tilespmem:s12], [sflag:$0x2] =	stream.indirect.gather [hbm4b:s9+s10], $0x20, s29, s10, $0xb8;
	[tilespmem:$0x19820] =	vst v63  }
0xc9: {  	_ =	swait.ge [sflag:s13], $0x7D00  }
0xca: {  	[sflag:s13] =	ssyncset.done $0x0  }
0xcb: {  	[sflag:s13] =	ssyncadd.s32 $0xFFFF8300  }
0xcc: {  	[spmem:s2] =	stream.indirect.scatter.add.bf16 [tilespmem:s11], [sflag:$0x3], $0x20, s30, s10, $0xb8;
	[tilespmem:$0x19820] =	vst v63  }
0xcd: {  	_ =	swait.ge [sflag:s5], $0x7D00  }
0xce: {  	[sflag:s5] =	ssyncset.done $0x0  }
0xcf: {  	[sflag:s5] =	ssyncadd.s32 $0xFFFF8300  }
0xd0: {  	_ =	swait.ge [sflag:s14], $0x7D00  }
0xd1: {  	[sflag:s14] =	ssyncset.done $0x0  }
0xd2: {  	[sflag:s14] =	ssyncadd.s32 $0xFFFF8300  }
0xd3: {  	[spmem:s2] =	stream.indirect.scatter.add.bf16 [tilespmem:s12], [sflag:$0x3], $0x20, s31, s10, $0xb8;
	[tilespmem:$0x19820] =	vst v63  }
0xd4: {  	_ =	swait.ge [sflag:s5], $0x7D00  }
0xd5: {  	p0 =	sne.s32 s1, $0x1;
	[sflag:s5] =	ssyncset.done $0x0  }
.Ltmp1:
0xd6: {  	[sflag:s5] =	ssyncadd.s32 $0xFFFF8300;
	(pc) =	sbr.rel @p0 .LBB2_1-.Ltmp1, $4  }
0xd7: {  	[bflag:$0x0] =	sbarrier.arrive $0xFFFF  }
0xd8: {  	s0 =	rddreg [dreg:$0x6]  }
0xd9: {  	[hbm:s0], [sflag:s4] =	dma.local [spmem:s6], $0xA00  }
0xda: {  	s1 =	sadd.s32 $0xFFFFFFFF, s1;
	_ =	swait.ge [sflag:s5], $0xA00  }
.LBB2_2:
0xdb: {  	[sflag:s5] =	ssyncset.done $0x0  }
0xdc: {  	[sflag:s5] =	ssyncadd.s32 $0xFFFFF600  }
0xdd: {  	_ =	sfence.sel $0x180000  }
0xde: {  	[bflag:$0x0] =	sbarrier.arrive $0xFFFF  }
0xdf: {  	_ =	strace $0x9000004A  }
0xe0: {  	s0 =	stileid.u32;
	[bflag:$0x2] =	sbarrier.arrive $0xFFFF  }
0xe1: {  	p0 =	sne.s32 s0, $0x0;
	s0 =	rddreg [dreg:$0x2]  }
0xe2: {  	s0 =	sadd.s32 @!p0 $0x100000, s0  }
0xe3: {  	[sflag:s0] =	ssyncadd.tile.s32 @!p0 $0x1;
	_ =	shalt  }
.Lfunc_end2:
_tile_overlayer_lowered:
.L_overlay_start_2:
0xe4: {  	(tag) =	ssettag $0x2  }
0xe5: {  	s0 =	rddreg [dreg:$0x0];
	s2 =	stileid.u32  }
0xe6: {  	s1 =	rddreg [dreg:$0x1];
	p0 =	sne.s32 s2, $0x0  }
0xe7: {  	s3 =	rddreg [dreg:$0x2];
	[bflag:$0x3] =	sbarrier.arrive $0xFFFF;
	s2 =	simm.s32 @!p0 $0x1C03  }
0xe8: {  	[timem:s3], [sflag:s2] =	dma.local @!p0 [hbm:s0], s1  }
0xe9: {  	s0 =	simm.s32 @!p0 $0x3  }
0xea: {  	_ =	swait.ge @!p0 [sflag:s0], s1  }
0xeb: {  	s1 =	ssub.s32 @!p0 $0x0, s1;
	[sflag:s0] =	ssyncset.done @!p0 $0x0  }
0xec: {  	[sflag:s0] =	ssyncadd.s32 @!p0 s1  }
0xed: {  	[bflag:$0x3] =	sbarrier.arrive $0xFFFF  }
0xee: {  	_ =	shalt  }

// kernel: kernel.15.cloned.1.call-start
scs
__scs_entry_jumppad:
0x0: {  	(pc) =	sbr.rel $0x88, $3  }
0x1: {  	(tag) =	ssettag $0x0;
	lr =	simm.s32 $0x1  }
0x2: {  	[smem:$0x3F94] =	sst lr;
	_ =	strace $0xD0000000  }
0x3: {  	_ = 	snop  }
0x4: {  	_ = 	snop  }
0x5: {  	_ = 	snop  }
0x6: {  	_ = 	snop  }
0x7: {  	_ = 	snop  }
__scs_overlays_trampoline_lowered:
0x8: {  	[smem:$0x3FA3] =	sst s0  }
0x9: {  	[smem:$0x3FA4] =	sst s1  }
0xa: {  	[smem:$0x3FA5] =	sst s2  }
0xb: {  	[smem:$0x3FA6] =	sst s3  }
0xc: {  	[smem:$0x3FA7] =	sst s4  }
0xd: {  	[smem:$0x3FA8] =	sst s5  }
0xe: {  	[smem:$0x3FA9] =	sst s6  }
0xf: {  	[smem:$0x3FAA] =	sst s7  }
0x10: {  	[smem:$0x3FAB] =	sst s8  }
0x11: {  	[smem:$0x3FAC] =	sst s9;
	s0 =	simm.s32 @!p0 $0x0  }
0x12: {  	s1 =	sld [smem:$0x3F92];
	s0 =	simm.s32 @p0 $0x1  }
0x13: {  	[smem:$0x3FAD] =	sst s0;
	s0 =	simm.s32 @!p1 $0x0  }
0x14: {  	s2 =	sld [smem:$0x3F91];
	s0 =	simm.s32 @p1 $0x1  }
0x15: {  	[smem:$0x3FAE] =	sst s0;
	s0 =	simm.s32 @!p2 $0x0  }
0x16: {  	s3 =	sld [smem:$0x3FDB];
	s0 =	simm.s32 @p2 $0x1  }
0x17: {  	s4 =	simm.s32 $0x1BF5;
	[smem:$0x3FB0] =	sst s0  }
0x18: {  	s0 =	sld [smem:$0x3F93];
	_ =	swait.ge [sflag:s4], $0x0  }
0x19: {  	s7 =	sld [smem:$0x3F94]  }
0x1a: {  	s8 =	sadd.s32 $0xFFFFE003, lr  }
0x1b: {  	s9 =	sadd.s32 $0xFFFFFEF7, lr;
	s5 =	simm.s32 $0xFFFFFFFF;
	p2 =	slt.u32 s8, $0xFFFFF086  }
0x1c: {  	p1 =	slt.u32 s9, $0xF7A;
	s5 =	simm.s32 @!p2 $0x0  }
0x1d: {  	s5 =	simm.s32 @p1 $0x1;
	p0 =	seq.s32 s7, s2  }
0x1e: {  	s7 =	smul.u32 @!p0 $0xF7A, s2;
	p2 =	seq.s32 @!p0 s5, $0x0  }
0x1f: {  	s9 =	smul.u32 $0xF7A, s1;
	s8 =	simm.s32 @!p0 $0x1BF5;
	p2 =	por !p2, p0  }
0x20: {  	[sflag:s8] =	ssyncset.s32 @!p0 $0xFFFFF086;
	s6 =	sadd.s32 @!p0 s3, s7;
	s7 =	simm.s32 @!p0 $0x108  }
0x21: {  	s3 =	sadd.s32 s3, s9;
	s6 =	sadd.s32 @!p0 $0x88, s6;
	s7 =	simm.s32 @p2 $0x1082  }
0x22: {  	[simem:s7], [sflag:s8] =	dma.local @!p0 [hbm:s6], $0xF7A  }
0x23: {  	s9 =	sor.u32 $0xD0000000, s2;
	s6 =	simm.s32 $0x108;
	_ =	swait.ge @!p0 [sflag:s8], $0x0  }
0x24: {  	s3 =	sadd.s32 $0x88, s3;
	s6 =	simm.s32 @!p1 $0x1082;
	[sflag:s4] =	ssyncset.s32 $0xFFFFF086  }
0x25: {  	[simem:s6], [sflag:s4] =	dma.local [hbm:s3], $0xF7A  }
0x26: {  	[smem:$0x3F94] =	sst s1;
	(tag) =	ssettag s2;
	_ =	strace s9  }
0x27: {  	s1 =	sld [smem:$0x3FA4]  }
0x28: {  	s2 =	sld [smem:$0x3FA5]  }
0x29: {  	s4 =	sld [smem:$0x3FA7]  }
0x2a: {  	p0 =	seq.s32 s5, $0x0;
	s5 =	sld [smem:$0x3FA8]  }
0x2b: {  	s6 =	sld [smem:$0x3FA9]  }
0x2c: {  	s7 =	sld [smem:$0x3FAA]  }
0x2d: {  	s3 =	simm.s32 $0x108;
	s8 =	sld [smem:$0x3FAB]  }
0x2e: {  	s3 =	simm.s32 @!p0 $0x1082;
	s9 =	sld [smem:$0x3FAC]  }
0x2f: {  	lr =	sadd.s32 s0, s3;
	s0 =	sld [smem:$0x3FA3]  }
0x30: {  	s3 =	sld [smem:$0x3FA6]  }
0x31: {  	[smem:$0x3FAF] =	sst s10  }
0x32: {  	s10 =	sld [smem:$0x3FAD];
	_ =	sdelay $0x3  }
0x33: {  	p0 =	seq.s32 s10, $0x1;
	s10 =	sld [smem:$0x3FAF];
	_ =	sdelay $0x3  }
0x34: {  	[smem:$0x3FAF] =	sst s10  }
0x35: {  	s10 =	sld [smem:$0x3FAE];
	_ =	sdelay $0x3  }
0x36: {  	p1 =	seq.s32 s10, $0x1;
	s10 =	sld [smem:$0x3FAF];
	_ =	sdelay $0x3  }
0x37: {  	[smem:$0x3FAF] =	sst s10  }
0x38: {  	s10 =	sld [smem:$0x3FB0]  }
0x39: {  	_ = 	snop;
	(pc) =	sbr.ind lr, $3  }
0x3a: {  	_ = 	snop  }
0x3b: {  	_ = 	snop  }
0x3c: {  	p2 =	seq.s32 s10, $0x1;
	s10 =	sld [smem:$0x3FAF]  }
0x3d: {  	_ =	shalt  }
0x3e: {  	_ =	shalt  }
0x3f: {  	_ =	shalt  }
0x40: {  	_ =	shalt  }
0x41: {  	_ =	shalt  }
0x42: {  	_ =	shalt  }
0x43: {  	_ =	shalt  }
0x44: {  	_ =	shalt  }
0x45: {  	_ =	shalt  }
0x46: {  	_ =	shalt  }
0x47: {  	_ =	shalt  }
0x48: {  	_ =	shalt  }
0x49: {  	_ =	shalt  }
0x4a: {  	_ =	shalt  }
0x4b: {  	_ =	shalt  }
0x4c: {  	_ =	shalt  }
0x4d: {  	_ =	shalt  }
0x4e: {  	_ =	shalt  }
0x4f: {  	_ =	shalt  }
0x50: {  	_ =	shalt  }
0x51: {  	_ =	shalt  }
0x52: {  	_ =	shalt  }
0x53: {  	_ =	shalt  }
0x54: {  	_ =	shalt  }
0x55: {  	_ =	shalt  }
0x56: {  	_ =	shalt  }
0x57: {  	_ =	shalt  }
0x58: {  	_ =	shalt  }
0x59: {  	_ =	shalt  }
0x5a: {  	_ =	shalt  }
0x5b: {  	_ =	shalt  }
0x5c: {  	_ =	shalt  }
0x5d: {  	_ =	shalt  }
0x5e: {  	_ =	shalt  }
0x5f: {  	_ =	shalt  }
0x60: {  	_ =	shalt  }
0x61: {  	_ =	shalt  }
0x62: {  	_ =	shalt  }
0x63: {  	_ =	shalt  }
0x64: {  	_ =	shalt  }
0x65: {  	_ =	shalt  }
0x66: {  	_ =	shalt  }
0x67: {  	_ =	shalt  }
0x68: {  	_ =	shalt  }
0x69: {  	_ =	shalt  }
0x6a: {  	_ =	shalt  }
0x6b: {  	_ =	shalt  }
0x6c: {  	_ =	shalt  }
0x6d: {  	_ =	shalt  }
0x6e: {  	_ =	shalt  }
0x6f: {  	_ =	shalt  }
0x70: {  	_ =	shalt  }
0x71: {  	_ =	shalt  }
0x72: {  	_ =	shalt  }
0x73: {  	_ =	shalt  }
0x74: {  	_ =	shalt  }
0x75: {  	_ =	shalt  }
0x76: {  	_ =	shalt  }
0x77: {  	_ =	shalt  }
0x78: {  	_ =	shalt  }
0x79: {  	_ =	shalt  }
0x7a: {  	_ =	shalt  }
0x7b: {  	_ =	shalt  }
0x7c: {  	_ =	shalt  }
0x7d: {  	_ =	shalt  }
0x7e: {  	_ =	shalt  }
0x7f: {  	_ =	shalt  }
0x80: {  	_ =	shalt  }
0x81: {  	_ =	shalt  }
0x82: {  	_ =	shalt  }
0x83: {  	_ =	shalt  }
0x84: {  	_ =	shalt  }
0x85: {  	_ =	shalt  }
0x86: {  	_ =	shalt  }
0x87: {  	_ =	shalt  }
.Lfunc_end0:
.L_simem_size_0:
called_computation.2_lowered:
.L_overlay_start_0:
0x88: {  	s2 =	sld [smem:$0x3FD9]  }
0x89: {  	s3 =	sld [smem:$0x3FFE];
	_ =	sdelay $0x1  }
0x8a: {  	s1 =	srdreg.scid  }
0x8b: {  	s0 =	sand.u32 $0x1, s1  }
0x8c: {  	s16 =	sshll.u32 s0, $0xA;
	s2 =	sadd.s32 s3, s2  }
0x8d: {  	s2 =	sadd.s32 s2, s16  }
0x8e: {  	[smem:$0x3FBB] =	sst s2  }
0x8f: {  	_ = 	snop  }
0x90: {  	(tm) =	ssettm $0x1  }
0x91: {  	s17 =	sld [smem:$0x3FFB];
	_ =	sdelay $0x3  }
0x92: {  	_ =	strace s17  }
0x93: {  	s2 =	sld [smem:$0x3FFC];
	_ =	sdelay $0x3  }
0x94: {  	_ =	strace s2  }
0x95: {  	s2 =	sld [smem:$0x3FFD];
	_ =	sdelay $0x3  }
0x96: {  	_ =	strace s2  }
0x97: {  	_ =	strace $0x8FFFFFFF  }
0x98: {  	s18 =	sld [smem:$0x3FDB];
	_ =	sdelay $0x1  }
0x99: {  	s19 =	simm.s32 $_scs_section_size  }
0x9a: {  	s4 =	simm.s32 $_size__tile_overlayer_lowered;
	s5 =	simm.s32 $_tile_overlayer_lowered  }
0x9b: {  	s22 =	simm.s32 $0x1BFF;
	s21 =	sshll.u32 s5, $0x1;
	s2 =	sadd.s32 s19, s18  }
0x9c: {  	s6 =	simm.s32 $0x0;
	s20 =	sshll.u32 s4, $0x1;
	s4 =	sadd.s32 s21, s2  }
0x9d: {  	[timem:s6], [sflag:s22] =	dma.local [hbm:s4], s20  }
0x9e: {  	_ =	swait.ge [sflag:s22], s20  }
0x9f: {  	s3 =	ssub.s32 $0x0, s20;
	[sflag:s22] =	ssyncset.done $0x0  }
0xa0: {  	[sflag:s22] =	ssyncadd.s32 s3;
	_ =	sdelay $0x1  }
0xa1: {  	s23 =	simm.s32 $0x1B8B  }
0xa2: {  	_ =	swait.ge [sflag:s23], $0x1  }
0xa3: {  	[sflag:s23] =	ssyncset.done $0x0  }
0xa4: {  	s25 =	simm.s32 $0x1B8E;
	s24 =	sld [smem:$0x3FFE];
	[sflag:s23] =	ssyncadd.s32 $0xFFFFFFFF  }
0xa5: {  	s26 =	simm.s32 $execute0_lowered;
	[smem:$0x3FD2] =	sst s25  }
0xa6: {  	s4 =	sshll.u32 s26, $0x1;
	_ =	strace $0x8000004C;
	[dreg:$0x1] =	wrdreg $0xFFFFFFFF  }
0xa7: {  	s28 =	simm.s32 $_size_execute0_lowered;
	s2 =	sadd.s32 s2, s4;
	[dreg:$0x0] =	wrdreg $0x0  }
0xa8: {  	s4 =	sshll.u32 s28, $0x1;
	[dreg:$0x2] =	wrdreg s2  }
0xa9: {  	[dreg:$0x3] =	wrdreg s4  }
0xaa: {  	[dreg:$0x4] =	wrdreg $0xC0  }
0xab: {  	_ =	task [dreg:s6], $0x5FFFF  }
0xac: {  	[dreg:$0x1] =	wrdreg $0xFFFFFFFF  }
0xad: {  	[dreg:$0x0] =	wrdreg $0x60  }
0xae: {  	[dreg:$0x2] =	wrdreg s24  }
0xaf: {  	[dreg:$0x3] =	wrdreg $0x0  }
0xb0: {  	[dreg:$0x4] =	wrdreg $0x9  }
0xb1: {  	_ =	task.clear_ibuf [dreg:s6], $0x5FFFF;
	_ =	strace $0x9000004C  }
0xb2: {  	s29 =	simm.s32 $0x9;
	_ =	strace $0x8000004E  }
0xb3: {  	_ =	swait.ge [sflag:s29], $0x1  }
0xb4: {  	[sflag:s29] =	ssyncadd.s32 $0xFFFFFFFF  }
0xb5: {  	_ =	strace $0x9000004E  }
0xb6: {  	_ =	sfence  }
0xb7: {  	s30 =	sld [smem:$0x0];
	_ =	sdelay $0x2  }
0xb8: {  	s31 =	sshll.u32 s1, $0xD;
	s1 =	sshrl.u32 s1, $0x2  }
0xb9: {  	s3 =	sand.u32 $0x4000, s31;
	s1 =	sadd.s32 s1, s30  }
0xba: {  	s0 =	sor.u32 s3, s0;
	s1 =	sshll.u32 s1, $0x11  }
0xbb: {  	s0 =	sor.u32 s1, s0  }
0xbc: {  	s0 =	sadd.s32 $0x8F2B, s0  }
0xbd: {  	[sflag:s0] =	ssyncadd.remote.s32 $0x1  }
0xbe: {  	_ =	sfence.sel $0xFFFF  }
0xbf: {  	[dreg:$0x0] =	wrdreg $0xFFFFFFFF;
	(pc) =	sbr.abs _section_cstart, $3  }
0xc0: {  	[dreg:$0x1] =	wrdreg $0xFFFFFFFF  }
0xc1: {  	_ =	task.clear_ibuf [dreg:s6], $0x2FFFF;
	_ =	strace $0x9FFFFFFF  }
0xc2: {  	(tm) =	ssettm $0x7FFFFFFF  }
0xc3: {  	_ =	shalt  }
tec
execute0_lowered:
.L_overlay_start_1:
0x0: {  	(tag) =	ssettag $0x1  }
0x1: {  	s1 =	srdreg.scid;
	s9 =	rddreg [dreg:$0x0]  }
0x2: {  	s0 =	stileid.u32;
	s2 =	rddreg [dreg:$0x1];
	s24 =	simm.s32 $0x53E8  }
0x3: {  	s8 =	simm.s32 $0x57D0;
	s1 =	sand.u32 $0x1, s1;
	s3 =	sshll.u32 s0, $0x1  }
0x4: {  	s5 =	smul.u32 $0xA000, s0;
	s4 =	sor.u32 s1, s3;
	s3 =	simm.s32 $0x0  }
0x5: {  	s23 =	sshll.u32 s0, $0x6;
	s7 =	smul.u32 $0xA0000, s1;
	[smem:$0x7FF] =	sst s3  }
0x6: {  	s4 =	smul.u32 $0x4E2, s4;
	s6 =	sshrl.u32 s5, $0x4;
	_ =	strace $0x8000004D  }
0x7: {  	s6 =	sadd.s32 s6, s9;
	s7 =	sadd.s32 s5, s7;
	[dreg:$0x7] =	wrdreg s24  }
0x8: {  	[dreg:$0x8] =	wrdreg s8;
	s4 =	sadd.s32 s4, s9;
	s6 =	sadd.s32 $0x15600, s6  }
0x9: {  	s5 =	sshrl.u32 s5, $0x1;
	[dreg:$0x3] =	wrdreg s6;
	s21 =	sadd.s32 $0x1A00, s4  }
0xa: {  	s7 =	sshrl.u32 s7, $0x4;
	s4 =	sadd.s32 $0xB800, s4;
	[dreg:$0x4] =	wrdreg s21  }
0xb: {  	s5 =	sadd.s32 s5, s2;
	s7 =	sadd.s32 s7, s9;
	[dreg:$0x5] =	wrdreg s4  }
0xc: {  	s6 =	sshrl.u32 s5, $0x3;
	s22 =	sadd.s32 $0x29600, s7;
	s25 =	rddreg [dreg:$0x3]  }
0xd: {  	s5 =	simm.s32 $0x3;
	s4 =	sor.u32 $0x1C03, s23;
	[dreg:$0x6] =	wrdreg s22  }
0xe: {  	[spmem:s6], [sflag:s4] =	dma.local [hbm:s25], $0xA00  }
0xf: {  	_ =	swait.ge [sflag:s5], $0xA00  }
0x10: {  	[sflag:s5] =	ssyncset.done $0x0  }
0x11: {  	s7 =	simm.s32 $0x5000;
	s26 =	rddreg [dreg:$0x4];
	[sflag:s5] =	ssyncadd.s32 $0xFFFFF600  }
0x12: {  	[tilespmem:s7], [sflag:$0x3] =	stream.linear.gather [hbm4b:s26+s3], $0x2710, $0x38;
	[tilespmem:$0x19820] =	vst v63  }
0x13: {  	_ =	swait.ge [sflag:s5], $0x2710  }
0x14: {  	[sflag:s5] =	ssyncset.done $0x0  }
0x15: {  	s8 =	simm.s32 $0x7710;
	s10 =	rddreg [dreg:$0x5];
	[sflag:s5] =	ssyncadd.s32 $0xFFFFD8F0  }
0x16: {  	[tilespmem:s8], [sflag:$0x3] =	stream.linear.gather [hbm4b:s10+s3], $0x2710, $0x38;
	[tilespmem:$0x19820] =	vst v63  }
0x17: {  	_ =	swait.ge [sflag:s5], $0x2710  }
0x18: {  	[sflag:s5] =	ssyncset.done $0x0  }
0x19: {  	s11 =	simm.s32 $0x9E20;
	[sflag:s5] =	ssyncadd.s32 $0xFFFFD8F0  }
0x1a: {  	s9 =	sadd.s32 $0x1F600, s9;
	s10 =	simm.s32 $0x3E8;
	[bflag:$0x0] =	sbarrier.arrive $0xFFFF  }
0x1b: {  	[tilespmem:s11], [sflag:$0x1] =	stream.indirect.gather [hbm4b:s9+s10], $0x20, s7, s10, $0xb8;
	[tilespmem:$0x19820] =	vst v63  }
0x1c: {  	s12 =	simm.s32 $0x11B20;
	s13 =	simm.s32 $0x1;
	s14 =	rddreg [dreg:$0x7]  }
0x1d: {  	[tilespmem:s12], [sflag:$0x2] =	stream.indirect.gather [hbm4b:s9+s10], $0x20, s14, s10, $0xb8;
	[tilespmem:$0x19820] =	vst v63  }
0x1e: {  	_ =	swait.ge [sflag:s13], $0x7D00  }
0x1f: {  	[sflag:s13] =	ssyncset.done $0x0  }
0x20: {  	[sflag:s13] =	ssyncadd.s32 $0xFFFF8300  }
0x21: {  	[spmem:s2] =	stream.indirect.scatter.add.bf16 [tilespmem:s11], [sflag:$0x3], $0x20, s8, s10, $0xb8;
	[tilespmem:$0x19820] =	vst v63  }
0x22: {  	_ =	swait.ge [sflag:s5], $0x7D00  }
0x23: {  	[sflag:s5] =	ssyncset.done $0x0  }
0x24: {  	s14 =	simm.s32 $0x2;
	s15 =	rddreg [dreg:$0x8];
	[sflag:s5] =	ssyncadd.s32 $0xFFFF8300  }
0x25: {  	[tilespmem:s11], [sflag:$0x1] =	stream.indirect.gather [hbm4b:s9+s10], $0x20, s15, s10, $0xb8;
	[tilespmem:$0x19820] =	vst v63  }
0x26: {  	_ =	swait.ge [sflag:s14], $0x7D00  }
0x27: {  	[sflag:s14] =	ssyncset.done $0x0  }
0x28: {  	s15 =	simm.s32 $0x7AF8;
	[sflag:s14] =	ssyncadd.s32 $0xFFFF8300  }
0x29: {  	[spmem:s2] =	stream.indirect.scatter.add.bf16 [tilespmem:s12], [sflag:$0x3], $0x20, s15, s10, $0xb8;
	[tilespmem:$0x19820] =	vst v63  }
0x2a: {  	_ =	swait.ge [sflag:s5], $0x7D00  }
0x2b: {  	[sflag:s5] =	ssyncset.done $0x0  }
0x2c: {  	s16 =	simm.s32 $0x5BB8;
	[sflag:s5] =	ssyncadd.s32 $0xFFFF8300  }
0x2d: {  	[tilespmem:s12], [sflag:$0x2] =	stream.indirect.gather [hbm4b:s9+s10], $0x20, s16, s10, $0xb8;
	[tilespmem:$0x19820] =	vst v63  }
0x2e: {  	_ =	swait.ge [sflag:s13], $0x7D00  }
0x2f: {  	[sflag:s13] =	ssyncset.done $0x0  }
0x30: {  	s17 =	simm.s32 $0x7EE0;
	[sflag:s13] =	ssyncadd.s32 $0xFFFF8300  }
0x31: {  	[spmem:s2] =	stream.indirect.scatter.add.bf16 [tilespmem:s11], [sflag:$0x3], $0x20, s17, s10, $0xb8;
	[tilespmem:$0x19820] =	vst v63  }
0x32: {  	_ =	swait.ge [sflag:s5], $0x7D00  }
0x33: {  	[sflag:s5] =	ssyncset.done $0x0  }
0x34: {  	s18 =	simm.s32 $0x5FA0;
	[sflag:s5] =	ssyncadd.s32 $0xFFFF8300  }
0x35: {  	[tilespmem:s11], [sflag:$0x1] =	stream.indirect.gather [hbm4b:s9+s10], $0x20, s18, s10, $0xb8;
	[tilespmem:$0x19820] =	vst v63  }
0x36: {  	_ =	swait.ge [sflag:s14], $0x7D00  }
0x37: {  	[sflag:s14] =	ssyncset.done $0x0  }
0x38: {  	s19 =	simm.s32 $0x82C8;
	[sflag:s14] =	ssyncadd.s32 $0xFFFF8300  }
0x39: {  	[spmem:s2] =	stream.indirect.scatter.add.bf16 [tilespmem:s12], [sflag:$0x3], $0x20, s19, s10, $0xb8;
	[tilespmem:$0x19820] =	vst v63  }
0x3a: {  	_ =	swait.ge [sflag:s5], $0x7D00  }
0x3b: {  	[sflag:s5] =	ssyncset.done $0x0  }
0x3c: {  	s20 =	simm.s32 $0x6388;
	[sflag:s5] =	ssyncadd.s32 $0xFFFF8300  }
0x3d: {  	[tilespmem:s12], [sflag:$0x2] =	stream.indirect.gather [hbm4b:s9+s10], $0x20, s20, s10, $0xb8;
	[tilespmem:$0x19820] =	vst v63  }
0x3e: {  	_ =	swait.ge [sflag:s13], $0x7D00  }
0x3f: {  	[sflag:s13] =	ssyncset.done $0x0  }
0x40: {  	s21 =	simm.s32 $0x86B0;
	[sflag:s13] =	ssyncadd.s32 $0xFFFF8300  }
0x41: {  	[spmem:s2] =	stream.indirect.scatter.add.bf16 [tilespmem:s11], [sflag:$0x3], $0x20, s21, s10, $0xb8;
	[tilespmem:$0x19820] =	vst v63  }
0x42: {  	_ =	swait.ge [sflag:s5], $0x7D00  }
0x43: {  	[sflag:s5] =	ssyncset.done $0x0  }
0x44: {  	s22 =	simm.s32 $0x6770;
	[sflag:s5] =	ssyncadd.s32 $0xFFFF8300  }
0x45: {  	[tilespmem:s11], [sflag:$0x1] =	stream.indirect.gather [hbm4b:s9+s10], $0x20, s22, s10, $0xb8;
	[tilespmem:$0x19820] =	vst v63  }
0x46: {  	_ =	swait.ge [sflag:s14], $0x7D00  }
0x47: {  	[sflag:s14] =	ssyncset.done $0x0  }
0x48: {  	s23 =	simm.s32 $0x8A98;
	[sflag:s14] =	ssyncadd.s32 $0xFFFF8300  }
0x49: {  	[spmem:s2] =	stream.indirect.scatter.add.bf16 [tilespmem:s12], [sflag:$0x3], $0x20, s23, s10, $0xb8;
	[tilespmem:$0x19820] =	vst v63  }
0x4a: {  	_ =	swait.ge [sflag:s5], $0x7D00  }
0x4b: {  	[sflag:s5] =	ssyncset.done $0x0  }
0x4c: {  	s24 =	simm.s32 $0x6B58;
	[sflag:s5] =	ssyncadd.s32 $0xFFFF8300  }
0x4d: {  	[tilespmem:s12], [sflag:$0x2] =	stream.indirect.gather [hbm4b:s9+s10], $0x20, s24, s10, $0xb8;
	[tilespmem:$0x19820] =	vst v63  }
0x4e: {  	_ =	swait.ge [sflag:s13], $0x7D00  }
0x4f: {  	[sflag:s13] =	ssyncset.done $0x0  }
0x50: {  	s25 =	simm.s32 $0x8E80;
	[sflag:s13] =	ssyncadd.s32 $0xFFFF8300  }
0x51: {  	[spmem:s2] =	stream.indirect.scatter.add.bf16 [tilespmem:s11], [sflag:$0x3], $0x20, s25, s10, $0xb8;
	[tilespmem:$0x19820] =	vst v63  }
0x52: {  	_ =	swait.ge [sflag:s5], $0x7D00  }
0x53: {  	[sflag:s5] =	ssyncset.done $0x0  }
0x54: {  	s26 =	simm.s32 $0x6F40;
	[sflag:s5] =	ssyncadd.s32 $0xFFFF8300  }
0x55: {  	[tilespmem:s11], [sflag:$0x1] =	stream.indirect.gather [hbm4b:s9+s10], $0x20, s26, s10, $0xb8;
	[tilespmem:$0x19820] =	vst v63  }
0x56: {  	_ =	swait.ge [sflag:s14], $0x7D00  }
0x57: {  	[sflag:s14] =	ssyncset.done $0x0  }
0x58: {  	s28 =	simm.s32 $0x9268;
	[sflag:s14] =	ssyncadd.s32 $0xFFFF8300  }
0x59: {  	[spmem:s2] =	stream.indirect.scatter.add.bf16 [tilespmem:s12], [sflag:$0x3], $0x20, s28, s10, $0xb8;
	[tilespmem:$0x19820] =	vst v63  }
0x5a: {  	_ =	swait.ge [sflag:s5], $0x7D00  }
0x5b: {  	[sflag:s5] =	ssyncset.done $0x0  }
0x5c: {  	s29 =	simm.s32 $0x7328;
	[sflag:s5] =	ssyncadd.s32 $0xFFFF8300  }
0x5d: {  	[tilespmem:s12], [sflag:$0x2] =	stream.indirect.gather [hbm4b:s9+s10], $0x20, s29, s10, $0xb8;
	[tilespmem:$0x19820] =	vst v63  }
0x5e: {  	_ =	swait.ge [sflag:s13], $0x7D00  }
0x5f: {  	[sflag:s13] =	ssyncset.done $0x0  }
0x60: {  	s30 =	simm.s32 $0x9650;
	[sflag:s13] =	ssyncadd.s32 $0xFFFF8300  }
0x61: {  	[spmem:s2] =	stream.indirect.scatter.add.bf16 [tilespmem:s11], [sflag:$0x3], $0x20, s30, s10, $0xb8;
	[tilespmem:$0x19820] =	vst v63  }
0x62: {  	_ =	swait.ge [sflag:s5], $0x7D00  }
0x63: {  	[sflag:s5] =	ssyncset.done $0x0  }
0x64: {  	[sflag:s5] =	ssyncadd.s32 $0xFFFF8300  }
0x65: {  	_ =	swait.ge [sflag:s14], $0x7D00  }
0x66: {  	[sflag:s14] =	ssyncset.done $0x0  }
0x67: {  	s31 =	simm.s32 $0x9A38;
	[sflag:s14] =	ssyncadd.s32 $0xFFFF8300  }
0x68: {  	[spmem:s2] =	stream.indirect.scatter.add.bf16 [tilespmem:s12], [sflag:$0x3], $0x20, s31, s10, $0xb8;
	[tilespmem:$0x19820] =	vst v63  }
0x69: {  	_ =	swait.ge [sflag:s5], $0x7D00  }
0x6a: {  	[sflag:s5] =	ssyncset.done $0x0  }
0x6b: {  	[sflag:s5] =	ssyncadd.s32 $0xFFFF8300  }
0x6c: {  	[bflag:$0x0] =	sbarrier.arrive $0xFFFF  }
0x6d: {  	s1 =	ssub.s32 $0x2, s1;
	s0 =	rddreg [dreg:$0x6]  }
0x6e: {  	[dreg:$0x9] =	wrdreg s0;
	s0 =	sshrl.u32 s1, $0x1  }
0x6f: {  	s0 =	ssub.s32 s1, s0  }
0x70: {  	s0 =	smax.u32 s0, $0x1  }
0x71: {  	p0 =	sne.s32 s0, $0x1  }
.Ltmp0:
0x72: {  	_ = 	snop;
	(pc) =	sbr.rel @!p0 .LBB2_2-.Ltmp0, $4  }
0x73: {  	_ = 	snop  }
0x74: {  	s1 =	rddreg [dreg:$0x9]  }
0x75: {  	[hbm:s1], [sflag:s4] =	dma.local [spmem:s6], $0xA00  }
0x76: {  	s1 =	sadd.s32 $0xFFFFFFFF, s0;
	_ =	swait.ge [sflag:s5], $0xA00  }
.LBB2_1:
0x77: {  	[sflag:s5] =	ssyncset.done $0x0  }
0x78: {  	s0 =	rddreg [dreg:$0x3];
	[sflag:s5] =	ssyncadd.s32 $0xFFFFF600  }
0x79: {  	[spmem:s6], [sflag:s4] =	dma.local [hbm:s0], $0xA00  }
0x7a: {  	_ =	swait.ge [sflag:s5], $0xA00  }
0x7b: {  	[sflag:s5] =	ssyncset.done $0x0  }
0x7c: {  	s0 =	rddreg [dreg:$0x4];
	[sflag:s5] =	ssyncadd.s32 $0xFFFFF600  }
0x7d: {  	[tilespmem:s7], [sflag:$0x3] =	stream.linear.gather [hbm4b:s0+s3], $0x2710, $0x38;
	[tilespmem:$0x19820] =	vst v63  }
0x7e: {  	_ =	swait.ge [sflag:s5], $0x2710  }
0x7f: {  	[sflag:s5] =	ssyncset.done $0x0  }
0x80: {  	s0 =	rddreg [dreg:$0x5];
	[sflag:s5] =	ssyncadd.s32 $0xFFFFD8F0  }
0x81: {  	[tilespmem:s8], [sflag:$0x3] =	stream.linear.gather [hbm4b:s0+s3], $0x2710, $0x38;
	[tilespmem:$0x19820] =	vst v63  }
0x82: {  	_ =	swait.ge [sflag:s5], $0x2710  }
0x83: {  	[sflag:s5] =	ssyncset.done $0x0  }
0x84: {  	[sflag:s5] =	ssyncadd.s32 $0xFFFFD8F0  }
0x85: {  	[bflag:$0x0] =	sbarrier.arrive $0xFFFF  }
0x86: {  	[tilespmem:s11], [sflag:$0x1] =	stream.indirect.gather [hbm4b:s9+s10], $0x20, s7, s10, $0xb8;
	[tilespmem:$0x19820] =	vst v63  }
0x87: {  	s0 =	rddreg [dreg:$0x7]  }
0x88: {  	[tilespmem:s12], [sflag:$0x2] =	stream.indirect.gather [hbm4b:s9+s10], $0x20, s0, s10, $0xb8;
	[tilespmem:$0x19820] =	vst v63  }
0x89: {  	_ =	swait.ge [sflag:s13], $0x7D00  }
0x8a: {  	[sflag:s13] =	ssyncset.done $0x0  }
0x8b: {  	[sflag:s13] =	ssyncadd.s32 $0xFFFF8300  }
0x8c: {  	[spmem:s2] =	stream.indirect.scatter.add.bf16 [tilespmem:s11], [sflag:$0x3], $0x20, s8, s10, $0xb8;
	[tilespmem:$0x19820] =	vst v63  }
0x8d: {  	_ =	swait.ge [sflag:s5], $0x7D00  }
0x8e: {  	[sflag:s5] =	ssyncset.done $0x0  }
0x8f: {  	s0 =	rddreg [dreg:$0x8];
	[sflag:s5] =	ssyncadd.s32 $0xFFFF8300  }
0x90: {  	[tilespmem:s11], [sflag:$0x1] =	stream.indirect.gather [hbm4b:s9+s10], $0x20, s0, s10, $0xb8;
	[tilespmem:$0x19820] =	vst v63  }
0x91: {  	_ =	swait.ge [sflag:s14], $0x7D00  }
0x92: {  	[sflag:s14] =	ssyncset.done $0x0  }
0x93: {  	[sflag:s14] =	ssyncadd.s32 $0xFFFF8300  }
0x94: {  	[spmem:s2] =	stream.indirect.scatter.add.bf16 [tilespmem:s12], [sflag:$0x3], $0x20, s15, s10, $0xb8;
	[tilespmem:$0x19820] =	vst v63  }
0x95: {  	_ =	swait.ge [sflag:s5], $0x7D00  }
0x96: {  	[sflag:s5] =	ssyncset.done $0x0  }
0x97: {  	[sflag:s5] =	ssyncadd.s32 $0xFFFF8300  }
0x98: {  	[tilespmem:s12], [sflag:$0x2] =	stream.indirect.gather [hbm4b:s9+s10], $0x20, s16, s10, $0xb8;
	[tilespmem:$0x19820] =	vst v63  }
0x99: {  	_ =	swait.ge [sflag:s13], $0x7D00  }
0x9a: {  	[sflag:s13] =	ssyncset.done $0x0  }
0x9b: {  	[sflag:s13] =	ssyncadd.s32 $0xFFFF8300  }
0x9c: {  	[spmem:s2] =	stream.indirect.scatter.add.bf16 [tilespmem:s11], [sflag:$0x3], $0x20, s17, s10, $0xb8;
	[tilespmem:$0x19820] =	vst v63  }
0x9d: {  	_ =	swait.ge [sflag:s5], $0x7D00  }
0x9e: {  	[sflag:s5] =	ssyncset.done $0x0  }
0x9f: {  	[sflag:s5] =	ssyncadd.s32 $0xFFFF8300  }
0xa0: {  	[tilespmem:s11], [sflag:$0x1] =	stream.indirect.gather [hbm4b:s9+s10], $0x20, s18, s10, $0xb8;
	[tilespmem:$0x19820] =	vst v63  }
0xa1: {  	_ =	swait.ge [sflag:s14], $0x7D00  }
0xa2: {  	[sflag:s14] =	ssyncset.done $0x0  }
0xa3: {  	[sflag:s14] =	ssyncadd.s32 $0xFFFF8300  }
0xa4: {  	[spmem:s2] =	stream.indirect.scatter.add.bf16 [tilespmem:s12], [sflag:$0x3], $0x20, s19, s10, $0xb8;
	[tilespmem:$0x19820] =	vst v63  }
0xa5: {  	_ =	swait.ge [sflag:s5], $0x7D00  }
0xa6: {  	[sflag:s5] =	ssyncset.done $0x0  }
0xa7: {  	[sflag:s5] =	ssyncadd.s32 $0xFFFF8300  }
0xa8: {  	[tilespmem:s12], [sflag:$0x2] =	stream.indirect.gather [hbm4b:s9+s10], $0x20, s20, s10, $0xb8;
	[tilespmem:$0x19820] =	vst v63  }
0xa9: {  	_ =	swait.ge [sflag:s13], $0x7D00  }
0xaa: {  	[sflag:s13] =	ssyncset.done $0x0  }
0xab: {  	[sflag:s13] =	ssyncadd.s32 $0xFFFF8300  }
0xac: {  	[spmem:s2] =	stream.indirect.scatter.add.bf16 [tilespmem:s11], [sflag:$0x3], $0x20, s21, s10, $0xb8;
	[tilespmem:$0x19820] =	vst v63  }
0xad: {  	_ =	swait.ge [sflag:s5], $0x7D00  }
0xae: {  	[sflag:s5] =	ssyncset.done $0x0  }
0xaf: {  	[sflag:s5] =	ssyncadd.s32 $0xFFFF8300  }
0xb0: {  	[tilespmem:s11], [sflag:$0x1] =	stream.indirect.gather [hbm4b:s9+s10], $0x20, s22, s10, $0xb8;
	[tilespmem:$0x19820] =	vst v63  }
0xb1: {  	_ =	swait.ge [sflag:s14], $0x7D00  }
0xb2: {  	[sflag:s14] =	ssyncset.done $0x0  }
0xb3: {  	[sflag:s14] =	ssyncadd.s32 $0xFFFF8300  }
0xb4: {  	[spmem:s2] =	stream.indirect.scatter.add.bf16 [tilespmem:s12], [sflag:$0x3], $0x20, s23, s10, $0xb8;
	[tilespmem:$0x19820] =	vst v63  }
0xb5: {  	_ =	swait.ge [sflag:s5], $0x7D00  }
0xb6: {  	[sflag:s5] =	ssyncset.done $0x0  }
0xb7: {  	[sflag:s5] =	ssyncadd.s32 $0xFFFF8300  }
0xb8: {  	[tilespmem:s12], [sflag:$0x2] =	stream.indirect.gather [hbm4b:s9+s10], $0x20, s24, s10, $0xb8;
	[tilespmem:$0x19820] =	vst v63  }
0xb9: {  	_ =	swait.ge [sflag:s13], $0x7D00  }
0xba: {  	[sflag:s13] =	ssyncset.done $0x0  }
0xbb: {  	[sflag:s13] =	ssyncadd.s32 $0xFFFF8300  }
0xbc: {  	[spmem:s2] =	stream.indirect.scatter.add.bf16 [tilespmem:s11], [sflag:$0x3], $0x20, s25, s10, $0xb8;
	[tilespmem:$0x19820] =	vst v63  }
0xbd: {  	_ =	swait.ge [sflag:s5], $0x7D00  }
0xbe: {  	[sflag:s5] =	ssyncset.done $0x0  }
0xbf: {  	[sflag:s5] =	ssyncadd.s32 $0xFFFF8300  }
0xc0: {  	[tilespmem:s11], [sflag:$0x1] =	stream.indirect.gather [hbm4b:s9+s10], $0x20, s26, s10, $0xb8;
	[tilespmem:$0x19820] =	vst v63  }
0xc1: {  	_ =	swait.ge [sflag:s14], $0x7D00  }
0xc2: {  	[sflag:s14] =	ssyncset.done $0x0  }
0xc3: {  	[sflag:s14] =	ssyncadd.s32 $0xFFFF8300  }
0xc4: {  	[spmem:s2] =	stream.indirect.scatter.add.bf16 [tilespmem:s12], [sflag:$0x3], $0x20, s28, s10, $0xb8;
	[tilespmem:$0x19820] =	vst v63  }
0xc5: {  	_ =	swait.ge [sflag:s5], $0x7D00  }
0xc6: {  	[sflag:s5] =	ssyncset.done $0x0  }
0xc7: {  	[sflag:s5] =	ssyncadd.s32 $0xFFFF8300  }
0xc8: {  	[tilespmem:s12], [sflag:$0x2] =	stream.indirect.gather [hbm4b:s9+s10], $0x20, s29, s10, $0xb8;
	[tilespmem:$0x19820] =	vst v63  }
0xc9: {  	_ =	swait.ge [sflag:s13], $0x7D00  }
0xca: {  	[sflag:s13] =	ssyncset.done $0x0  }
0xcb: {  	[sflag:s13] =	ssyncadd.s32 $0xFFFF8300  }
0xcc: {  	[spmem:s2] =	stream.indirect.scatter.add.bf16 [tilespmem:s11], [sflag:$0x3], $0x20, s30, s10, $0xb8;
	[tilespmem:$0x19820] =	vst v63  }
0xcd: {  	_ =	swait.ge [sflag:s5], $0x7D00  }
0xce: {  	[sflag:s5] =	ssyncset.done $0x0  }
0xcf: {  	[sflag:s5] =	ssyncadd.s32 $0xFFFF8300  }
0xd0: {  	_ =	swait.ge [sflag:s14], $0x7D00  }
0xd1: {  	[sflag:s14] =	ssyncset.done $0x0  }
0xd2: {  	[sflag:s14] =	ssyncadd.s32 $0xFFFF8300  }
0xd3: {  	[spmem:s2] =	stream.indirect.scatter.add.bf16 [tilespmem:s12], [sflag:$0x3], $0x20, s31, s10, $0xb8;
	[tilespmem:$0x19820] =	vst v63  }
0xd4: {  	_ =	swait.ge [sflag:s5], $0x7D00  }
0xd5: {  	p0 =	sne.s32 s1, $0x1;
	[sflag:s5] =	ssyncset.done $0x0  }
.Ltmp1:
0xd6: {  	[sflag:s5] =	ssyncadd.s32 $0xFFFF8300;
	(pc) =	sbr.rel @p0 .LBB2_1-.Ltmp1, $4  }
0xd7: {  	[bflag:$0x0] =	sbarrier.arrive $0xFFFF  }
0xd8: {  	s0 =	rddreg [dreg:$0x6]  }
0xd9: {  	[hbm:s0], [sflag:s4] =	dma.local [spmem:s6], $0xA00  }
0xda: {  	s1 =	sadd.s32 $0xFFFFFFFF, s1;
	_ =	swait.ge [sflag:s5], $0xA00  }
.LBB2_2:
0xdb: {  	[sflag:s5] =	ssyncset.done $0x0  }
0xdc: {  	[sflag:s5] =	ssyncadd.s32 $0xFFFFF600  }
0xdd: {  	_ =	sfence.sel $0x180000  }
0xde: {  	[bflag:$0x0] =	sbarrier.arrive $0xFFFF  }
0xdf: {  	_ =	strace $0x9000004D  }
0xe0: {  	s0 =	stileid.u32;
	[bflag:$0x2] =	sbarrier.arrive $0xFFFF  }
0xe1: {  	p0 =	sne.s32 s0, $0x0;
	s0 =	rddreg [dreg:$0x2]  }
0xe2: {  	s0 =	sadd.s32 @!p0 $0x100000, s0  }
0xe3: {  	[sflag:s0] =	ssyncadd.tile.s32 @!p0 $0x1;
	_ =	shalt  }
.Lfunc_end2:
_tile_overlayer_lowered:
.L_overlay_start_2:
0xe4: {  	(tag) =	ssettag $0x2  }
0xe5: {  	s0 =	rddreg [dreg:$0x0];
	s2 =	stileid.u32  }
0xe6: {  	s1 =	rddreg [dreg:$0x1];
	p0 =	sne.s32 s2, $0x0  }
0xe7: {  	s3 =	rddreg [dreg:$0x2];
	[bflag:$0x3] =	sbarrier.arrive $0xFFFF;
	s2 =	simm.s32 @!p0 $0x1C03  }
0xe8: {  	[timem:s3], [sflag:s2] =	dma.local @!p0 [hbm:s0], s1  }
0xe9: {  	s0 =	simm.s32 @!p0 $0x3  }
0xea: {  	_ =	swait.ge @!p0 [sflag:s0], s1  }
0xeb: {  	s1 =	ssub.s32 @!p0 $0x0, s1;
	[sflag:s0] =	ssyncset.done @!p0 $0x0  }
0xec: {  	[sflag:s0] =	ssyncadd.s32 @!p0 s1  }
0xed: {  	[bflag:$0x3] =	sbarrier.arrive $0xFFFF  }
0xee: {  	_ =	shalt  }

// kernel: kernel.9.cloned.1.call-start
scs
__scs_entry_jumppad:
0x0: {  	(pc) =	sbr.rel $0x88, $3  }
0x1: {  	(tag) =	ssettag $0x0;
	lr =	simm.s32 $0x1  }
0x2: {  	[smem:$0x3F94] =	sst lr;
	_ =	strace $0xD0000000  }
0x3: {  	_ = 	snop  }
0x4: {  	_ = 	snop  }
0x5: {  	_ = 	snop  }
0x6: {  	_ = 	snop  }
0x7: {  	_ = 	snop  }
__scs_overlays_trampoline_lowered:
0x8: {  	[smem:$0x3FA3] =	sst s0  }
0x9: {  	[smem:$0x3FA4] =	sst s1  }
0xa: {  	[smem:$0x3FA5] =	sst s2  }
0xb: {  	[smem:$0x3FA6] =	sst s3  }
0xc: {  	[smem:$0x3FA7] =	sst s4  }
0xd: {  	[smem:$0x3FA8] =	sst s5  }
0xe: {  	[smem:$0x3FA9] =	sst s6  }
0xf: {  	[smem:$0x3FAA] =	sst s7  }
0x10: {  	[smem:$0x3FAB] =	sst s8  }
0x11: {  	[smem:$0x3FAC] =	sst s9;
	s0 =	simm.s32 @!p0 $0x0  }
0x12: {  	s1 =	sld [smem:$0x3F92];
	s0 =	simm.s32 @p0 $0x1  }
0x13: {  	[smem:$0x3FAD] =	sst s0;
	s0 =	simm.s32 @!p1 $0x0  }
0x14: {  	s2 =	sld [smem:$0x3F91];
	s0 =	simm.s32 @p1 $0x1  }
0x15: {  	[smem:$0x3FAE] =	sst s0;
	s0 =	simm.s32 @!p2 $0x0  }
0x16: {  	s3 =	sld [smem:$0x3FDB];
	s0 =	simm.s32 @p2 $0x1  }
0x17: {  	s4 =	simm.s32 $0x1BF5;
	[smem:$0x3FB0] =	sst s0  }
0x18: {  	s0 =	sld [smem:$0x3F93];
	_ =	swait.ge [sflag:s4], $0x0  }
0x19: {  	s7 =	sld [smem:$0x3F94]  }
0x1a: {  	s8 =	sadd.s32 $0xFFFFE003, lr  }
0x1b: {  	s9 =	sadd.s32 $0xFFFFFEF7, lr;
	s5 =	simm.s32 $0xFFFFFFFF;
	p2 =	slt.u32 s8, $0xFFFFF086  }
0x1c: {  	p1 =	slt.u32 s9, $0xF7A;
	s5 =	simm.s32 @!p2 $0x0  }
0x1d: {  	s5 =	simm.s32 @p1 $0x1;
	p0 =	seq.s32 s7, s2  }
0x1e: {  	s7 =	smul.u32 @!p0 $0xF7A, s2;
	p2 =	seq.s32 @!p0 s5, $0x0  }
0x1f: {  	s9 =	smul.u32 $0xF7A, s1;
	s8 =	simm.s32 @!p0 $0x1BF5;
	p2 =	por !p2, p0  }
0x20: {  	[sflag:s8] =	ssyncset.s32 @!p0 $0xFFFFF086;
	s6 =	sadd.s32 @!p0 s3, s7;
	s7 =	simm.s32 @!p0 $0x108  }
0x21: {  	s3 =	sadd.s32 s3, s9;
	s6 =	sadd.s32 @!p0 $0x88, s6;
	s7 =	simm.s32 @p2 $0x1082  }
0x22: {  	[simem:s7], [sflag:s8] =	dma.local @!p0 [hbm:s6], $0xF7A  }
0x23: {  	s9 =	sor.u32 $0xD0000000, s2;
	s6 =	simm.s32 $0x108;
	_ =	swait.ge @!p0 [sflag:s8], $0x0  }
0x24: {  	s3 =	sadd.s32 $0x88, s3;
	s6 =	simm.s32 @!p1 $0x1082;
	[sflag:s4] =	ssyncset.s32 $0xFFFFF086  }
0x25: {  	[simem:s6], [sflag:s4] =	dma.local [hbm:s3], $0xF7A  }
0x26: {  	[smem:$0x3F94] =	sst s1;
	(tag) =	ssettag s2;
	_ =	strace s9  }
0x27: {  	s1 =	sld [smem:$0x3FA4]  }
0x28: {  	s2 =	sld [smem:$0x3FA5]  }
0x29: {  	s4 =	sld [smem:$0x3FA7]  }
0x2a: {  	p0 =	seq.s32 s5, $0x0;
	s5 =	sld [smem:$0x3FA8]  }
0x2b: {  	s6 =	sld [smem:$0x3FA9]  }
0x2c: {  	s7 =	sld [smem:$0x3FAA]  }
0x2d: {  	s3 =	simm.s32 $0x108;
	s8 =	sld [smem:$0x3FAB]  }
0x2e: {  	s3 =	simm.s32 @!p0 $0x1082;
	s9 =	sld [smem:$0x3FAC]  }
0x2f: {  	lr =	sadd.s32 s0, s3;
	s0 =	sld [smem:$0x3FA3]  }
0x30: {  	s3 =	sld [smem:$0x3FA6]  }
0x31: {  	[smem:$0x3FAF] =	sst s10  }
0x32: {  	s10 =	sld [smem:$0x3FAD];
	_ =	sdelay $0x3  }
0x33: {  	p0 =	seq.s32 s10, $0x1;
	s10 =	sld [smem:$0x3FAF];
	_ =	sdelay $0x3  }
0x34: {  	[smem:$0x3FAF] =	sst s10  }
0x35: {  	s10 =	sld [smem:$0x3FAE];
	_ =	sdelay $0x3  }
0x36: {  	p1 =	seq.s32 s10, $0x1;
	s10 =	sld [smem:$0x3FAF];
	_ =	sdelay $0x3  }
0x37: {  	[smem:$0x3FAF] =	sst s10  }
0x38: {  	s10 =	sld [smem:$0x3FB0]  }
0x39: {  	_ = 	snop;
	(pc) =	sbr.ind lr, $3  }
0x3a: {  	_ = 	snop  }
0x3b: {  	_ = 	snop  }
0x3c: {  	p2 =	seq.s32 s10, $0x1;
	s10 =	sld [smem:$0x3FAF]  }
0x3d: {  	_ =	shalt  }
0x3e: {  	_ =	shalt  }
0x3f: {  	_ =	shalt  }
0x40: {  	_ =	shalt  }
0x41: {  	_ =	shalt  }
0x42: {  	_ =	shalt  }
0x43: {  	_ =	shalt  }
0x44: {  	_ =	shalt  }
0x45: {  	_ =	shalt  }
0x46: {  	_ =	shalt  }
0x47: {  	_ =	shalt  }
0x48: {  	_ =	shalt  }
0x49: {  	_ =	shalt  }
0x4a: {  	_ =	shalt  }
0x4b: {  	_ =	shalt  }
0x4c: {  	_ =	shalt  }
0x4d: {  	_ =	shalt  }
0x4e: {  	_ =	shalt  }
0x4f: {  	_ =	shalt  }
0x50: {  	_ =	shalt  }
0x51: {  	_ =	shalt  }
0x52: {  	_ =	shalt  }
0x53: {  	_ =	shalt  }
0x54: {  	_ =	shalt  }
0x55: {  	_ =	shalt  }
0x56: {  	_ =	shalt  }
0x57: {  	_ =	shalt  }
0x58: {  	_ =	shalt  }
0x59: {  	_ =	shalt  }
0x5a: {  	_ =	shalt  }
0x5b: {  	_ =	shalt  }
0x5c: {  	_ =	shalt  }
0x5d: {  	_ =	shalt  }
0x5e: {  	_ =	shalt  }
0x5f: {  	_ =	shalt  }
0x60: {  	_ =	shalt  }
0x61: {  	_ =	shalt  }
0x62: {  	_ =	shalt  }
0x63: {  	_ =	shalt  }
0x64: {  	_ =	shalt  }
0x65: {  	_ =	shalt  }
0x66: {  	_ =	shalt  }
0x67: {  	_ =	shalt  }
0x68: {  	_ =	shalt  }
0x69: {  	_ =	shalt  }
0x6a: {  	_ =	shalt  }
0x6b: {  	_ =	shalt  }
0x6c: {  	_ =	shalt  }
0x6d: {  	_ =	shalt  }
0x6e: {  	_ =	shalt  }
0x6f: {  	_ =	shalt  }
0x70: {  	_ =	shalt  }
0x71: {  	_ =	shalt  }
0x72: {  	_ =	shalt  }
0x73: {  	_ =	shalt  }
0x74: {  	_ =	shalt  }
0x75: {  	_ =	shalt  }
0x76: {  	_ =	shalt  }
0x77: {  	_ =	shalt  }
0x78: {  	_ =	shalt  }
0x79: {  	_ =	shalt  }
0x7a: {  	_ =	shalt  }
0x7b: {  	_ =	shalt  }
0x7c: {  	_ =	shalt  }
0x7d: {  	_ =	shalt  }
0x7e: {  	_ =	shalt  }
0x7f: {  	_ =	shalt  }
0x80: {  	_ =	shalt  }
0x81: {  	_ =	shalt  }
0x82: {  	_ =	shalt  }
0x83: {  	_ =	shalt  }
0x84: {  	_ =	shalt  }
0x85: {  	_ =	shalt  }
0x86: {  	_ =	shalt  }
0x87: {  	_ =	shalt  }
.Lfunc_end0:
.L_simem_size_0:
called_computation_lowered:
.L_overlay_start_0:
0x88: {  	s2 =	sld [smem:$0x3FD9]  }
0x89: {  	s3 =	sld [smem:$0x3FFE];
	_ =	sdelay $0x1  }
0x8a: {  	s1 =	srdreg.scid  }
0x8b: {  	s0 =	sand.u32 $0x1, s1  }
0x8c: {  	s16 =	sshll.u32 s0, $0xA;
	s2 =	sadd.s32 s3, s2  }
0x8d: {  	s2 =	sadd.s32 s2, s16  }
0x8e: {  	[smem:$0x3FBB] =	sst s2  }
0x8f: {  	_ = 	snop  }
0x90: {  	(tm) =	ssettm $0x1  }
0x91: {  	s17 =	sld [smem:$0x3FFB];
	_ =	sdelay $0x3  }
0x92: {  	_ =	strace s17  }
0x93: {  	s2 =	sld [smem:$0x3FFC];
	_ =	sdelay $0x3  }
0x94: {  	_ =	strace s2  }
0x95: {  	s2 =	sld [smem:$0x3FFD];
	_ =	sdelay $0x3  }
0x96: {  	_ =	strace s2  }
0x97: {  	_ =	strace $0x8FFFFFFF  }
0x98: {  	s18 =	sld [smem:$0x3FDB];
	_ =	sdelay $0x1  }
0x99: {  	s19 =	simm.s32 $_scs_section_size  }
0x9a: {  	s4 =	simm.s32 $_size__tile_overlayer_lowered;
	s5 =	simm.s32 $_tile_overlayer_lowered  }
0x9b: {  	s22 =	simm.s32 $0x1BFF;
	s21 =	sshll.u32 s5, $0x1;
	s2 =	sadd.s32 s19, s18  }
0x9c: {  	s6 =	simm.s32 $0x0;
	s20 =	sshll.u32 s4, $0x1;
	s4 =	sadd.s32 s21, s2  }
0x9d: {  	[timem:s6], [sflag:s22] =	dma.local [hbm:s4], s20  }
0x9e: {  	_ =	swait.ge [sflag:s22], s20  }
0x9f: {  	s3 =	ssub.s32 $0x0, s20;
	[sflag:s22] =	ssyncset.done $0x0  }
0xa0: {  	[sflag:s22] =	ssyncadd.s32 s3;
	_ =	sdelay $0x1  }
0xa1: {  	s23 =	simm.s32 $0x1B8B  }
0xa2: {  	_ =	swait.ge [sflag:s23], $0x1  }
0xa3: {  	[sflag:s23] =	ssyncset.done $0x0  }
0xa4: {  	s25 =	simm.s32 $0x1B8E;
	s24 =	sld [smem:$0x3FFE];
	[sflag:s23] =	ssyncadd.s32 $0xFFFFFFFF  }
0xa5: {  	s26 =	simm.s32 $execute0_lowered;
	[smem:$0x3FD2] =	sst s25  }
0xa6: {  	s4 =	sshll.u32 s26, $0x1;
	_ =	strace $0x80000046;
	[dreg:$0x1] =	wrdreg $0xFFFFFFFF  }
0xa7: {  	s28 =	simm.s32 $_size_execute0_lowered;
	s2 =	sadd.s32 s2, s4;
	[dreg:$0x0] =	wrdreg $0x0  }
0xa8: {  	s4 =	sshll.u32 s28, $0x1;
	[dreg:$0x2] =	wrdreg s2  }
0xa9: {  	[dreg:$0x3] =	wrdreg s4  }
0xaa: {  	[dreg:$0x4] =	wrdreg $0xC0  }
0xab: {  	_ =	task [dreg:s6], $0x5FFFF  }
0xac: {  	[dreg:$0x1] =	wrdreg $0xFFFFFFFF  }
0xad: {  	[dreg:$0x0] =	wrdreg $0x60  }
0xae: {  	[dreg:$0x2] =	wrdreg s24  }
0xaf: {  	[dreg:$0x3] =	wrdreg $0x0  }
0xb0: {  	[dreg:$0x4] =	wrdreg $0x9  }
0xb1: {  	_ =	task.clear_ibuf [dreg:s6], $0x5FFFF;
	_ =	strace $0x90000046  }
0xb2: {  	s29 =	simm.s32 $0x9;
	_ =	strace $0x80000048  }
0xb3: {  	_ =	swait.ge [sflag:s29], $0x1  }
0xb4: {  	[sflag:s29] =	ssyncadd.s32 $0xFFFFFFFF  }
0xb5: {  	_ =	strace $0x90000048  }
0xb6: {  	_ =	sfence  }
0xb7: {  	s30 =	sld [smem:$0x0];
	_ =	sdelay $0x2  }
0xb8: {  	s31 =	sshll.u32 s1, $0xD;
	s1 =	sshrl.u32 s1, $0x2  }
0xb9: {  	s3 =	sand.u32 $0x4000, s31;
	s1 =	sadd.s32 s1, s30  }
0xba: {  	s0 =	sor.u32 s3, s0;
	s1 =	sshll.u32 s1, $0x11  }
0xbb: {  	s0 =	sor.u32 s1, s0  }
0xbc: {  	s0 =	sadd.s32 $0x8F2B, s0  }
0xbd: {  	[sflag:s0] =	ssyncadd.remote.s32 $0x1  }
0xbe: {  	_ =	sfence.sel $0xFFFF  }
0xbf: {  	[dreg:$0x0] =	wrdreg $0xFFFFFFFF;
	(pc) =	sbr.abs _section_cstart, $3  }
0xc0: {  	[dreg:$0x1] =	wrdreg $0xFFFFFFFF  }
0xc1: {  	_ =	task.clear_ibuf [dreg:s6], $0x2FFFF;
	_ =	strace $0x9FFFFFFF  }
0xc2: {  	(tm) =	ssettm $0x7FFFFFFF  }
0xc3: {  	_ =	shalt  }
tec
execute0_lowered:
.L_overlay_start_1:
0x0: {  	(tag) =	ssettag $0x1  }
0x1: {  	s1 =	srdreg.scid;
	s9 =	rddreg [dreg:$0x0]  }
0x2: {  	s0 =	stileid.u32;
	s2 =	rddreg [dreg:$0x1];
	s24 =	simm.s32 $0x53E8  }
0x3: {  	s8 =	simm.s32 $0x57D0;
	s1 =	sand.u32 $0x1, s1;
	s3 =	sshll.u32 s0, $0x1  }
0x4: {  	s5 =	smul.u32 $0xA000, s0;
	s4 =	sor.u32 s1, s3;
	s3 =	simm.s32 $0x0  }
0x5: {  	s23 =	sshll.u32 s0, $0x6;
	s7 =	smul.u32 $0xA0000, s1;
	[smem:$0x7FF] =	sst s3  }
0x6: {  	s4 =	smul.u32 $0x4E2, s4;
	s6 =	sshrl.u32 s5, $0x4;
	_ =	strace $0x80000047  }
0x7: {  	s6 =	sadd.s32 s6, s9;
	s7 =	sadd.s32 s5, s7;
	[dreg:$0x7] =	wrdreg s24  }
0x8: {  	[dreg:$0x8] =	wrdreg s8;
	s4 =	sadd.s32 s4, s9;
	s6 =	sadd.s32 $0x15600, s6  }
0x9: {  	s5 =	sshrl.u32 s5, $0x1;
	[dreg:$0x3] =	wrdreg s6;
	s21 =	sadd.s32 $0x1A00, s4  }
0xa: {  	s7 =	sshrl.u32 s7, $0x4;
	s4 =	sadd.s32 $0xB800, s4;
	[dreg:$0x4] =	wrdreg s21  }
0xb: {  	s5 =	sadd.s32 s5, s2;
	s7 =	sadd.s32 s7, s9;
	[dreg:$0x5] =	wrdreg s4  }
0xc: {  	s6 =	sshrl.u32 s5, $0x3;
	s22 =	sadd.s32 $0x29600, s7;
	s25 =	rddreg [dreg:$0x3]  }
0xd: {  	s5 =	simm.s32 $0x3;
	s4 =	sor.u32 $0x1C03, s23;
	[dreg:$0x6] =	wrdreg s22  }
0xe: {  	[spmem:s6], [sflag:s4] =	dma.local [hbm:s25], $0xA00  }
0xf: {  	_ =	swait.ge [sflag:s5], $0xA00  }
0x10: {  	[sflag:s5] =	ssyncset.done $0x0  }
0x11: {  	s7 =	simm.s32 $0x5000;
	s26 =	rddreg [dreg:$0x4];
	[sflag:s5] =	ssyncadd.s32 $0xFFFFF600  }
0x12: {  	[tilespmem:s7], [sflag:$0x3] =	stream.linear.gather [hbm4b:s26+s3], $0x2710, $0x38;
	[tilespmem:$0x19820] =	vst v63  }
0x13: {  	_ =	swait.ge [sflag:s5], $0x2710  }
0x14: {  	[sflag:s5] =	ssyncset.done $0x0  }
0x15: {  	s8 =	simm.s32 $0x7710;
	s10 =	rddreg [dreg:$0x5];
	[sflag:s5] =	ssyncadd.s32 $0xFFFFD8F0  }
0x16: {  	[tilespmem:s8], [sflag:$0x3] =	stream.linear.gather [hbm4b:s10+s3], $0x2710, $0x38;
	[tilespmem:$0x19820] =	vst v63  }
0x17: {  	_ =	swait.ge [sflag:s5], $0x2710  }
0x18: {  	[sflag:s5] =	ssyncset.done $0x0  }
0x19: {  	s11 =	simm.s32 $0x9E20;
	[sflag:s5] =	ssyncadd.s32 $0xFFFFD8F0  }
0x1a: {  	s9 =	sadd.s32 $0x1F600, s9;
	s10 =	simm.s32 $0x3E8;
	[bflag:$0x0] =	sbarrier.arrive $0xFFFF  }
0x1b: {  	[tilespmem:s11], [sflag:$0x1] =	stream.indirect.gather [hbm4b:s9+s10], $0x20, s7, s10, $0xb8;
	[tilespmem:$0x19820] =	vst v63  }
0x1c: {  	s12 =	simm.s32 $0x11B20;
	s13 =	simm.s32 $0x1;
	s14 =	rddreg [dreg:$0x7]  }
0x1d: {  	[tilespmem:s12], [sflag:$0x2] =	stream.indirect.gather [hbm4b:s9+s10], $0x20, s14, s10, $0xb8;
	[tilespmem:$0x19820] =	vst v63  }
0x1e: {  	_ =	swait.ge [sflag:s13], $0x7D00  }
0x1f: {  	[sflag:s13] =	ssyncset.done $0x0  }
0x20: {  	[sflag:s13] =	ssyncadd.s32 $0xFFFF8300  }
0x21: {  	[spmem:s2] =	stream.indirect.scatter.add.bf16 [tilespmem:s11], [sflag:$0x3], $0x20, s8, s10, $0xb8;
	[tilespmem:$0x19820] =	vst v63  }
0x22: {  	_ =	swait.ge [sflag:s5], $0x7D00  }
0x23: {  	[sflag:s5] =	ssyncset.done $0x0  }
0x24: {  	s14 =	simm.s32 $0x2;
	s15 =	rddreg [dreg:$0x8];
	[sflag:s5] =	ssyncadd.s32 $0xFFFF8300  }
0x25: {  	[tilespmem:s11], [sflag:$0x1] =	stream.indirect.gather [hbm4b:s9+s10], $0x20, s15, s10, $0xb8;
	[tilespmem:$0x19820] =	vst v63  }
0x26: {  	_ =	swait.ge [sflag:s14], $0x7D00  }
0x27: {  	[sflag:s14] =	ssyncset.done $0x0  }
0x28: {  	s15 =	simm.s32 $0x7AF8;
	[sflag:s14] =	ssyncadd.s32 $0xFFFF8300  }
0x29: {  	[spmem:s2] =	stream.indirect.scatter.add.bf16 [tilespmem:s12], [sflag:$0x3], $0x20, s15, s10, $0xb8;
	[tilespmem:$0x19820] =	vst v63  }
0x2a: {  	_ =	swait.ge [sflag:s5], $0x7D00  }
0x2b: {  	[sflag:s5] =	ssyncset.done $0x0  }
0x2c: {  	s16 =	simm.s32 $0x5BB8;
	[sflag:s5] =	ssyncadd.s32 $0xFFFF8300  }
0x2d: {  	[tilespmem:s12], [sflag:$0x2] =	stream.indirect.gather [hbm4b:s9+s10], $0x20, s16, s10, $0xb8;
	[tilespmem:$0x19820] =	vst v63  }
0x2e: {  	_ =	swait.ge [sflag:s13], $0x7D00  }
0x2f: {  	[sflag:s13] =	ssyncset.done $0x0  }
0x30: {  	s17 =	simm.s32 $0x7EE0;
	[sflag:s13] =	ssyncadd.s32 $0xFFFF8300  }
0x31: {  	[spmem:s2] =	stream.indirect.scatter.add.bf16 [tilespmem:s11], [sflag:$0x3], $0x20, s17, s10, $0xb8;
	[tilespmem:$0x19820] =	vst v63  }
0x32: {  	_ =	swait.ge [sflag:s5], $0x7D00  }
0x33: {  	[sflag:s5] =	ssyncset.done $0x0  }
0x34: {  	s18 =	simm.s32 $0x5FA0;
	[sflag:s5] =	ssyncadd.s32 $0xFFFF8300  }
0x35: {  	[tilespmem:s11], [sflag:$0x1] =	stream.indirect.gather [hbm4b:s9+s10], $0x20, s18, s10, $0xb8;
	[tilespmem:$0x19820] =	vst v63  }
0x36: {  	_ =	swait.ge [sflag:s14], $0x7D00  }
0x37: {  	[sflag:s14] =	ssyncset.done $0x0  }
0x38: {  	s19 =	simm.s32 $0x82C8;
	[sflag:s14] =	ssyncadd.s32 $0xFFFF8300  }
0x39: {  	[spmem:s2] =	stream.indirect.scatter.add.bf16 [tilespmem:s12], [sflag:$0x3], $0x20, s19, s10, $0xb8;
	[tilespmem:$0x19820] =	vst v63  }
0x3a: {  	_ =	swait.ge [sflag:s5], $0x7D00  }
0x3b: {  	[sflag:s5] =	ssyncset.done $0x0  }
0x3c: {  	s20 =	simm.s32 $0x6388;
	[sflag:s5] =	ssyncadd.s32 $0xFFFF8300  }
0x3d: {  	[tilespmem:s12], [sflag:$0x2] =	stream.indirect.gather [hbm4b:s9+s10], $0x20, s20, s10, $0xb8;
	[tilespmem:$0x19820] =	vst v63  }
0x3e: {  	_ =	swait.ge [sflag:s13], $0x7D00  }
0x3f: {  	[sflag:s13] =	ssyncset.done $0x0  }
0x40: {  	s21 =	simm.s32 $0x86B0;
	[sflag:s13] =	ssyncadd.s32 $0xFFFF8300  }
0x41: {  	[spmem:s2] =	stream.indirect.scatter.add.bf16 [tilespmem:s11], [sflag:$0x3], $0x20, s21, s10, $0xb8;
	[tilespmem:$0x19820] =	vst v63  }
0x42: {  	_ =	swait.ge [sflag:s5], $0x7D00  }
0x43: {  	[sflag:s5] =	ssyncset.done $0x0  }
0x44: {  	s22 =	simm.s32 $0x6770;
	[sflag:s5] =	ssyncadd.s32 $0xFFFF8300  }
0x45: {  	[tilespmem:s11], [sflag:$0x1] =	stream.indirect.gather [hbm4b:s9+s10], $0x20, s22, s10, $0xb8;
	[tilespmem:$0x19820] =	vst v63  }
0x46: {  	_ =	swait.ge [sflag:s14], $0x7D00  }
0x47: {  	[sflag:s14] =	ssyncset.done $0x0  }
0x48: {  	s23 =	simm.s32 $0x8A98;
	[sflag:s14] =	ssyncadd.s32 $0xFFFF8300  }
0x49: {  	[spmem:s2] =	stream.indirect.scatter.add.bf16 [tilespmem:s12], [sflag:$0x3], $0x20, s23, s10, $0xb8;
	[tilespmem:$0x19820] =	vst v63  }
0x4a: {  	_ =	swait.ge [sflag:s5], $0x7D00  }
0x4b: {  	[sflag:s5] =	ssyncset.done $0x0  }
0x4c: {  	s24 =	simm.s32 $0x6B58;
	[sflag:s5] =	ssyncadd.s32 $0xFFFF8300  }
0x4d: {  	[tilespmem:s12], [sflag:$0x2] =	stream.indirect.gather [hbm4b:s9+s10], $0x20, s24, s10, $0xb8;
	[tilespmem:$0x19820] =	vst v63  }
0x4e: {  	_ =	swait.ge [sflag:s13], $0x7D00  }
0x4f: {  	[sflag:s13] =	ssyncset.done $0x0  }
0x50: {  	s25 =	simm.s32 $0x8E80;
	[sflag:s13] =	ssyncadd.s32 $0xFFFF8300  }
0x51: {  	[spmem:s2] =	stream.indirect.scatter.add.bf16 [tilespmem:s11], [sflag:$0x3], $0x20, s25, s10, $0xb8;
	[tilespmem:$0x19820] =	vst v63  }
0x52: {  	_ =	swait.ge [sflag:s5], $0x7D00  }
0x53: {  	[sflag:s5] =	ssyncset.done $0x0  }
0x54: {  	s26 =	simm.s32 $0x6F40;
	[sflag:s5] =	ssyncadd.s32 $0xFFFF8300  }
0x55: {  	[tilespmem:s11], [sflag:$0x1] =	stream.indirect.gather [hbm4b:s9+s10], $0x20, s26, s10, $0xb8;
	[tilespmem:$0x19820] =	vst v63  }
0x56: {  	_ =	swait.ge [sflag:s14], $0x7D00  }
0x57: {  	[sflag:s14] =	ssyncset.done $0x0  }
0x58: {  	s28 =	simm.s32 $0x9268;
	[sflag:s14] =	ssyncadd.s32 $0xFFFF8300  }
0x59: {  	[spmem:s2] =	stream.indirect.scatter.add.bf16 [tilespmem:s12], [sflag:$0x3], $0x20, s28, s10, $0xb8;
	[tilespmem:$0x19820] =	vst v63  }
0x5a: {  	_ =	swait.ge [sflag:s5], $0x7D00  }
0x5b: {  	[sflag:s5] =	ssyncset.done $0x0  }
0x5c: {  	s29 =	simm.s32 $0x7328;
	[sflag:s5] =	ssyncadd.s32 $0xFFFF8300  }
0x5d: {  	[tilespmem:s12], [sflag:$0x2] =	stream.indirect.gather [hbm4b:s9+s10], $0x20, s29, s10, $0xb8;
	[tilespmem:$0x19820] =	vst v63  }
0x5e: {  	_ =	swait.ge [sflag:s13], $0x7D00  }
0x5f: {  	[sflag:s13] =	ssyncset.done $0x0  }
0x60: {  	s30 =	simm.s32 $0x9650;
	[sflag:s13] =	ssyncadd.s32 $0xFFFF8300  }
0x61: {  	[spmem:s2] =	stream.indirect.scatter.add.bf16 [tilespmem:s11], [sflag:$0x3], $0x20, s30, s10, $0xb8;
	[tilespmem:$0x19820] =	vst v63  }
0x62: {  	_ =	swait.ge [sflag:s5], $0x7D00  }
0x63: {  	[sflag:s5] =	ssyncset.done $0x0  }
0x64: {  	[sflag:s5] =	ssyncadd.s32 $0xFFFF8300  }
0x65: {  	_ =	swait.ge [sflag:s14], $0x7D00  }
0x66: {  	[sflag:s14] =	ssyncset.done $0x0  }
0x67: {  	s31 =	simm.s32 $0x9A38;
	[sflag:s14] =	ssyncadd.s32 $0xFFFF8300  }
0x68: {  	[spmem:s2] =	stream.indirect.scatter.add.bf16 [tilespmem:s12], [sflag:$0x3], $0x20, s31, s10, $0xb8;
	[tilespmem:$0x19820] =	vst v63  }
0x69: {  	_ =	swait.ge [sflag:s5], $0x7D00  }
0x6a: {  	[sflag:s5] =	ssyncset.done $0x0  }
0x6b: {  	[sflag:s5] =	ssyncadd.s32 $0xFFFF8300  }
0x6c: {  	[bflag:$0x0] =	sbarrier.arrive $0xFFFF  }
0x6d: {  	s1 =	ssub.s32 $0x2, s1;
	s0 =	rddreg [dreg:$0x6]  }
0x6e: {  	[dreg:$0x9] =	wrdreg s0;
	s0 =	sshrl.u32 s1, $0x1  }
0x6f: {  	s0 =	ssub.s32 s1, s0  }
0x70: {  	s0 =	smax.u32 s0, $0x1  }
0x71: {  	p0 =	sne.s32 s0, $0x1  }
.Ltmp0:
0x72: {  	_ = 	snop;
	(pc) =	sbr.rel @!p0 .LBB2_2-.Ltmp0, $4  }
0x73: {  	_ = 	snop  }
0x74: {  	s1 =	rddreg [dreg:$0x9]  }
0x75: {  	[hbm:s1], [sflag:s4] =	dma.local [spmem:s6], $0xA00  }
0x76: {  	s1 =	sadd.s32 $0xFFFFFFFF, s0;
	_ =	swait.ge [sflag:s5], $0xA00  }
.LBB2_1:
0x77: {  	[sflag:s5] =	ssyncset.done $0x0  }
0x78: {  	s0 =	rddreg [dreg:$0x3];
	[sflag:s5] =	ssyncadd.s32 $0xFFFFF600  }
0x79: {  	[spmem:s6], [sflag:s4] =	dma.local [hbm:s0], $0xA00  }
0x7a: {  	_ =	swait.ge [sflag:s5], $0xA00  }
0x7b: {  	[sflag:s5] =	ssyncset.done $0x0  }
0x7c: {  	s0 =	rddreg [dreg:$0x4];
	[sflag:s5] =	ssyncadd.s32 $0xFFFFF600  }
0x7d: {  	[tilespmem:s7], [sflag:$0x3] =	stream.linear.gather [hbm4b:s0+s3], $0x2710, $0x38;
	[tilespmem:$0x19820] =	vst v63  }
0x7e: {  	_ =	swait.ge [sflag:s5], $0x2710  }
0x7f: {  	[sflag:s5] =	ssyncset.done $0x0  }
0x80: {  	s0 =	rddreg [dreg:$0x5];
	[sflag:s5] =	ssyncadd.s32 $0xFFFFD8F0  }
0x81: {  	[tilespmem:s8], [sflag:$0x3] =	stream.linear.gather [hbm4b:s0+s3], $0x2710, $0x38;
	[tilespmem:$0x19820] =	vst v63  }
0x82: {  	_ =	swait.ge [sflag:s5], $0x2710  }
0x83: {  	[sflag:s5] =	ssyncset.done $0x0  }
0x84: {  	[sflag:s5] =	ssyncadd.s32 $0xFFFFD8F0  }
0x85: {  	[bflag:$0x0] =	sbarrier.arrive $0xFFFF  }
0x86: {  	[tilespmem:s11], [sflag:$0x1] =	stream.indirect.gather [hbm4b:s9+s10], $0x20, s7, s10, $0xb8;
	[tilespmem:$0x19820] =	vst v63  }
0x87: {  	s0 =	rddreg [dreg:$0x7]  }
0x88: {  	[tilespmem:s12], [sflag:$0x2] =	stream.indirect.gather [hbm4b:s9+s10], $0x20, s0, s10, $0xb8;
	[tilespmem:$0x19820] =	vst v63  }
0x89: {  	_ =	swait.ge [sflag:s13], $0x7D00  }
0x8a: {  	[sflag:s13] =	ssyncset.done $0x0  }
0x8b: {  	[sflag:s13] =	ssyncadd.s32 $0xFFFF8300  }
0x8c: {  	[spmem:s2] =	stream.indirect.scatter.add.bf16 [tilespmem:s11], [sflag:$0x3], $0x20, s8, s10, $0xb8;
	[tilespmem:$0x19820] =	vst v63  }
0x8d: {  	_ =	swait.ge [sflag:s5], $0x7D00  }
0x8e: {  	[sflag:s5] =	ssyncset.done $0x0  }
0x8f: {  	s0 =	rddreg [dreg:$0x8];
	[sflag:s5] =	ssyncadd.s32 $0xFFFF8300  }
0x90: {  	[tilespmem:s11], [sflag:$0x1] =	stream.indirect.gather [hbm4b:s9+s10], $0x20, s0, s10, $0xb8;
	[tilespmem:$0x19820] =	vst v63  }
0x91: {  	_ =	swait.ge [sflag:s14], $0x7D00  }
0x92: {  	[sflag:s14] =	ssyncset.done $0x0  }
0x93: {  	[sflag:s14] =	ssyncadd.s32 $0xFFFF8300  }
0x94: {  	[spmem:s2] =	stream.indirect.scatter.add.bf16 [tilespmem:s12], [sflag:$0x3], $0x20, s15, s10, $0xb8;
	[tilespmem:$0x19820] =	vst v63  }
0x95: {  	_ =	swait.ge [sflag:s5], $0x7D00  }
0x96: {  	[sflag:s5] =	ssyncset.done $0x0  }
0x97: {  	[sflag:s5] =	ssyncadd.s32 $0xFFFF8300  }
0x98: {  	[tilespmem:s12], [sflag:$0x2] =	stream.indirect.gather [hbm4b:s9+s10], $0x20, s16, s10, $0xb8;
	[tilespmem:$0x19820] =	vst v63  }
0x99: {  	_ =	swait.ge [sflag:s13], $0x7D00  }
0x9a: {  	[sflag:s13] =	ssyncset.done $0x0  }
0x9b: {  	[sflag:s13] =	ssyncadd.s32 $0xFFFF8300  }
0x9c: {  	[spmem:s2] =	stream.indirect.scatter.add.bf16 [tilespmem:s11], [sflag:$0x3], $0x20, s17, s10, $0xb8;
	[tilespmem:$0x19820] =	vst v63  }
0x9d: {  	_ =	swait.ge [sflag:s5], $0x7D00  }
0x9e: {  	[sflag:s5] =	ssyncset.done $0x0  }
0x9f: {  	[sflag:s5] =	ssyncadd.s32 $0xFFFF8300  }
0xa0: {  	[tilespmem:s11], [sflag:$0x1] =	stream.indirect.gather [hbm4b:s9+s10], $0x20, s18, s10, $0xb8;
	[tilespmem:$0x19820] =	vst v63  }
0xa1: {  	_ =	swait.ge [sflag:s14], $0x7D00  }
0xa2: {  	[sflag:s14] =	ssyncset.done $0x0  }
0xa3: {  	[sflag:s14] =	ssyncadd.s32 $0xFFFF8300  }
0xa4: {  	[spmem:s2] =	stream.indirect.scatter.add.bf16 [tilespmem:s12], [sflag:$0x3], $0x20, s19, s10, $0xb8;
	[tilespmem:$0x19820] =	vst v63  }
0xa5: {  	_ =	swait.ge [sflag:s5], $0x7D00  }
0xa6: {  	[sflag:s5] =	ssyncset.done $0x0  }
0xa7: {  	[sflag:s5] =	ssyncadd.s32 $0xFFFF8300  }
0xa8: {  	[tilespmem:s12], [sflag:$0x2] =	stream.indirect.gather [hbm4b:s9+s10], $0x20, s20, s10, $0xb8;
	[tilespmem:$0x19820] =	vst v63  }
0xa9: {  	_ =	swait.ge [sflag:s13], $0x7D00  }
0xaa: {  	[sflag:s13] =	ssyncset.done $0x0  }
0xab: {  	[sflag:s13] =	ssyncadd.s32 $0xFFFF8300  }
0xac: {  	[spmem:s2] =	stream.indirect.scatter.add.bf16 [tilespmem:s11], [sflag:$0x3], $0x20, s21, s10, $0xb8;
	[tilespmem:$0x19820] =	vst v63  }
0xad: {  	_ =	swait.ge [sflag:s5], $0x7D00  }
0xae: {  	[sflag:s5] =	ssyncset.done $0x0  }
0xaf: {  	[sflag:s5] =	ssyncadd.s32 $0xFFFF8300  }
0xb0: {  	[tilespmem:s11], [sflag:$0x1] =	stream.indirect.gather [hbm4b:s9+s10], $0x20, s22, s10, $0xb8;
	[tilespmem:$0x19820] =	vst v63  }
0xb1: {  	_ =	swait.ge [sflag:s14], $0x7D00  }
0xb2: {  	[sflag:s14] =	ssyncset.done $0x0  }
0xb3: {  	[sflag:s14] =	ssyncadd.s32 $0xFFFF8300  }
0xb4: {  	[spmem:s2] =	stream.indirect.scatter.add.bf16 [tilespmem:s12], [sflag:$0x3], $0x20, s23, s10, $0xb8;
	[tilespmem:$0x19820] =	vst v63  }
0xb5: {  	_ =	swait.ge [sflag:s5], $0x7D00  }
0xb6: {  	[sflag:s5] =	ssyncset.done $0x0  }
0xb7: {  	[sflag:s5] =	ssyncadd.s32 $0xFFFF8300  }
0xb8: {  	[tilespmem:s12], [sflag:$0x2] =	stream.indirect.gather [hbm4b:s9+s10], $0x20, s24, s10, $0xb8;
	[tilespmem:$0x19820] =	vst v63  }
0xb9: {  	_ =	swait.ge [sflag:s13], $0x7D00  }
0xba: {  	[sflag:s13] =	ssyncset.done $0x0  }
0xbb: {  	[sflag:s13] =	ssyncadd.s32 $0xFFFF8300  }
0xbc: {  	[spmem:s2] =	stream.indirect.scatter.add.bf16 [tilespmem:s11], [sflag:$0x3], $0x20, s25, s10, $0xb8;
	[tilespmem:$0x19820] =	vst v63  }
0xbd: {  	_ =	swait.ge [sflag:s5], $0x7D00  }
0xbe: {  	[sflag:s5] =	ssyncset.done $0x0  }
0xbf: {  	[sflag:s5] =	ssyncadd.s32 $0xFFFF8300  }
0xc0: {  	[tilespmem:s11], [sflag:$0x1] =	stream.indirect.gather [hbm4b:s9+s10], $0x20, s26, s10, $0xb8;
	[tilespmem:$0x19820] =	vst v63  }
0xc1: {  	_ =	swait.ge [sflag:s14], $0x7D00  }
0xc2: {  	[sflag:s14] =	ssyncset.done $0x0  }
0xc3: {  	[sflag:s14] =	ssyncadd.s32 $0xFFFF8300  }
0xc4: {  	[spmem:s2] =	stream.indirect.scatter.add.bf16 [tilespmem:s12], [sflag:$0x3], $0x20, s28, s10, $0xb8;
	[tilespmem:$0x19820] =	vst v63  }
0xc5: {  	_ =	swait.ge [sflag:s5], $0x7D00  }
0xc6: {  	[sflag:s5] =	ssyncset.done $0x0  }
0xc7: {  	[sflag:s5] =	ssyncadd.s32 $0xFFFF8300  }
0xc8: {  	[tilespmem:s12], [sflag:$0x2] =	stream.indirect.gather [hbm4b:s9+s10], $0x20, s29, s10, $0xb8;
	[tilespmem:$0x19820] =	vst v63  }
0xc9: {  	_ =	swait.ge [sflag:s13], $0x7D00  }
0xca: {  	[sflag:s13] =	ssyncset.done $0x0  }
0xcb: {  	[sflag:s13] =	ssyncadd.s32 $0xFFFF8300  }
0xcc: {  	[spmem:s2] =	stream.indirect.scatter.add.bf16 [tilespmem:s11], [sflag:$0x3], $0x20, s30, s10, $0xb8;
	[tilespmem:$0x19820] =	vst v63  }
0xcd: {  	_ =	swait.ge [sflag:s5], $0x7D00  }
0xce: {  	[sflag:s5] =	ssyncset.done $0x0  }
0xcf: {  	[sflag:s5] =	ssyncadd.s32 $0xFFFF8300  }
0xd0: {  	_ =	swait.ge [sflag:s14], $0x7D00  }
0xd1: {  	[sflag:s14] =	ssyncset.done $0x0  }
0xd2: {  	[sflag:s14] =	ssyncadd.s32 $0xFFFF8300  }
0xd3: {  	[spmem:s2] =	stream.indirect.scatter.add.bf16 [tilespmem:s12], [sflag:$0x3], $0x20, s31, s10, $0xb8;
	[tilespmem:$0x19820] =	vst v63  }
0xd4: {  	_ =	swait.ge [sflag:s5], $0x7D00  }
0xd5: {  	p0 =	sne.s32 s1, $0x1;
	[sflag:s5] =	ssyncset.done $0x0  }
.Ltmp1:
0xd6: {  	[sflag:s5] =	ssyncadd.s32 $0xFFFF8300;
	(pc) =	sbr.rel @p0 .LBB2_1-.Ltmp1, $4  }
0xd7: {  	[bflag:$0x0] =	sbarrier.arrive $0xFFFF  }
0xd8: {  	s0 =	rddreg [dreg:$0x6]  }
0xd9: {  	[hbm:s0], [sflag:s4] =	dma.local [spmem:s6], $0xA00  }
0xda: {  	s1 =	sadd.s32 $0xFFFFFFFF, s1;
	_ =	swait.ge [sflag:s5], $0xA00  }
.LBB2_2:
0xdb: {  	[sflag:s5] =	ssyncset.done $0x0  }
0xdc: {  	[sflag:s5] =	ssyncadd.s32 $0xFFFFF600  }
0xdd: {  	_ =	sfence.sel $0x180000  }
0xde: {  	[bflag:$0x0] =	sbarrier.arrive $0xFFFF  }
0xdf: {  	_ =	strace $0x90000047  }
0xe0: {  	s0 =	stileid.u32;
	[bflag:$0x2] =	sbarrier.arrive $0xFFFF  }
0xe1: {  	p0 =	sne.s32 s0, $0x0;
	s0 =	rddreg [dreg:$0x2]  }
0xe2: {  	s0 =	sadd.s32 @!p0 $0x100000, s0  }
0xe3: {  	[sflag:s0] =	ssyncadd.tile.s32 @!p0 $0x1;
	_ =	shalt  }
.Lfunc_end2:
_tile_overlayer_lowered:
.L_overlay_start_2:
0xe4: {  	(tag) =	ssettag $0x2  }
0xe5: {  	s0 =	rddreg [dreg:$0x0];
	s2 =	stileid.u32  }
0xe6: {  	s1 =	rddreg [dreg:$0x1];
	p0 =	sne.s32 s2, $0x0  }
0xe7: {  	s3 =	rddreg [dreg:$0x2];
	[bflag:$0x3] =	sbarrier.arrive $0xFFFF;
	s2 =	simm.s32 @!p0 $0x1C03  }
0xe8: {  	[timem:s3], [sflag:s2] =	dma.local @!p0 [hbm:s0], s1  }
0xe9: {  	s0 =	simm.s32 @!p0 $0x3  }
0xea: {  	_ =	swait.ge @!p0 [sflag:s0], s1  }
0xeb: {  	s1 =	ssub.s32 @!p0 $0x0, s1;
	[sflag:s0] =	ssyncset.done @!p0 $0x0  }
0xec: {  	[sflag:s0] =	ssyncadd.s32 @!p0 s1  }
0xed: {  	[bflag:$0x3] =	sbarrier.arrive $0xFFFF  }
0xee: {  	_ =	shalt  }

</sc_bundles>
